<compile_context>
chip_gen: v7x
topology: tpu7x:2x2x1
jax: 0.10.2.dev20260603
libtpu: 0.0.44.dev20260713+nightly
codegen_flags: <defaults>
</compile_context>

<pallas_src>
import functools

import jax
import jax.numpy as jnp
from jax import lax
from jax.experimental import pallas as pl
from jax.experimental.pallas import tpu as pltpu
from jax.experimental.pallas import tpu_sc as plsc

_NEG_SLOPE = 0.01
_L = 16


def _dots_body(nf_ref, watt_ref, wag_ref, t_ref, g_ref, a_ref):
    x = nf_ref[...]
    d = x.shape[1]
    w3 = jnp.concatenate(
        [watt_ref[:d], watt_ref[d:], wag_ref[...]], axis=1)
    yt = jax.lax.dot_general(w3, x, (((0,), (1,)), ((), ())),
                             preferred_element_type=jnp.float32)
    t_ref[...] = yt[0]
    g_ref[...] = yt[1]
    a_ref[...] = yt[2]


def _node_dots(nf, w_att, w_ag):
    n, d = nf.shape
    rows = 8192
    grid = pl.cdiv(n, rows)
    return pl.pallas_call(
        _dots_body,
        grid=(grid,),
        in_specs=[
            pl.BlockSpec((rows, d), lambda i: (i, 0)),
            pl.BlockSpec((2 * d, 1), lambda i: (0, 0)),
            pl.BlockSpec((d, 1), lambda i: (0, 0)),
        ],
        out_specs=[pl.BlockSpec((rows,), lambda i: (i,))] * 3,
        out_shape=[jax.ShapeDtypeStruct((n,), jnp.float32)] * 3,
    )(nf, w_att, w_ag)


def _rot_copy(wid, src_hbm, dst_v, total, nsplit, sem):
    cs = total // nsplit
    cps = []
    for i in range(nsplit):
        off = lax.rem(wid + i, nsplit) * cs
        cps.append(pltpu.async_copy(src_hbm.at[pl.ds(off, cs)],
                                    dst_v.at[pl.ds(off, cs)], sem))
    return cps


def _sc_compose(tni, edge_flat, n_ag, deg, n_task):
    nw = 32
    edges_per = n_ag * deg // nw
    mesh = plsc.VectorSubcoreMesh(core_axis_name="c", subcore_axis_name="s")

    @functools.partial(
        pl.kernel,
        out_type=jax.ShapeDtypeStruct((n_ag * deg,), jnp.int32),
        mesh=mesh,
        compiler_params=pltpu.CompilerParams(needs_layout_passes=False),
        scratch_types=[
            pltpu.VMEM((n_task,), jnp.int32),
            pltpu.VMEM((edges_per,), jnp.int32),
            pltpu.VMEM((edges_per,), jnp.int32),
            pltpu.SemaphoreType.DMA,
            pltpu.SemaphoreType.DMA,
        ],
    )
    def body(tni_hbm, edge_hbm, ci_hbm, tni_v, edge_v, ci_v, sem_n, sem_e):
        wid = lax.axis_index("s") * 2 + lax.axis_index("c")
        e0 = wid * edges_per
        cps_n = _rot_copy(wid, tni_hbm, tni_v, n_task, 5, sem_n)
        cp_e = pltpu.async_copy(edge_hbm.at[pl.ds(e0, edges_per)], edge_v,
                                sem_e)
        with jax.named_scope("sc_a_stage"):
            for cp in cps_n:
                cp.wait()
            cp_e.wait()

        def cb(i, _):
            for u in range(8):
                off = (i * 8 + u) * _L
                ev = edge_v[pl.ds(off, _L)]
                ci_v[pl.ds(off, _L)] = plsc.load_gather(tni_v, [ev])
            return 0

        with jax.named_scope("sc_a_compose"):
            lax.fori_loop(0, edges_per // (8 * _L), cb, 0)
        pltpu.sync_copy(ci_v, ci_hbm.at[pl.ds(e0, edges_per)])

    return body(tni, edge_flat)


def _sc_attention(t_full, g_full, a_full, ci_flat, agi, n_ag, deg, n_task):
    n = t_full.shape[0]
    nw = 32
    ag_per = n_ag // nw
    edges_per = ag_per * deg
    nvec_row = deg // _L
    chunk = 128
    mesh = plsc.VectorSubcoreMesh(core_axis_name="c", subcore_axis_name="s")

    @functools.partial(
        pl.kernel,
        out_type=[
            jax.ShapeDtypeStruct((n_ag * deg,), jnp.float32),
            jax.ShapeDtypeStruct((n_ag,), jnp.float32),
        ],
        mesh=mesh,
        compiler_params=pltpu.CompilerParams(needs_layout_passes=False),
        scratch_types=[
            pltpu.VMEM((n,), jnp.float32),
            pltpu.VMEM((edges_per,), jnp.int32),
            pltpu.VMEM((ag_per,), jnp.int32),
            pltpu.VMEM((ag_per,), jnp.float32),
            pltpu.VMEM((edges_per,), jnp.float32),
            pltpu.VMEM((n_ag,), jnp.int32),
            pltpu.VMEM((n_ag,), jnp.float32),
            pltpu.SemaphoreType.DMA,
            pltpu.SemaphoreType.DMA,
            pltpu.SemaphoreType.DMA,
            pltpu.SemaphoreType.DMA,
            pltpu.SemaphoreType.DMA,
        ],
    )
    def body(t_hbm, g_hbm, a_hbm, ci_hbm, agi_hbm, pol_hbm, agp_hbm,
             t_v, ci_v, agi_v, g_v, pol_v, agall_v, aval_v,
             sem_t, sem_e, sem_a, sem_g, sem_v):
        wid = lax.axis_index("s") * 2 + lax.axis_index("c")
        ag0 = wid * ag_per

        pltpu.async_copy(agi_hbm.at[pl.ds(ag0, ag_per)], agi_v, sem_a).wait()
        cp_g = pltpu.async_copy(g_hbm.at[agi_v], g_v, sem_g)
        cps_t = _rot_copy(wid, t_hbm, t_v, n, 5, sem_t)
        cp_e = pltpu.async_copy(ci_hbm.at[pl.ds(ag0 * deg, edges_per)],
                                ci_v, sem_e)

        @pl.when(wid == 0)
        def _():
            pltpu.sync_copy(agi_hbm, agall_v)

            def fire(i, _):
                for j in range(8):
                    off = (i * 8 + j) * chunk
                    pltpu.async_copy(
                        a_hbm.at[agall_v.at[pl.ds(off, chunk)]],
                        aval_v.at[pl.ds(off, chunk)], sem_v)
                return 0

            lax.fori_loop(0, n_ag // (8 * chunk), fire, 0)

        with jax.named_scope("sc_stage_wait"):
            for cp in cps_t:
                cp.wait()
            cp_e.wait()
            cp_g.wait()

        def row_body(r):
            gvec = plsc.load_gather(g_v, [jnp.full((_L,), r, jnp.int32)])
            base = r * deg
            svs = []
            for k in range(nvec_row):
                ti = ci_v[pl.ds(base + k * _L, _L)]
                tv = plsc.load_gather(t_v, [ti])
                x = tv + gvec
                svs.append(jnp.where(x >= 0.0, x, _NEG_SLOPE * x))
            mv = svs[0]
            for k in range(1, nvec_row):
                mv = jnp.maximum(mv, svs[k])
            m = jnp.max(mv)
            es = [jnp.exp(s - m) for s in svs]
            tot = es[0]
            for k in range(1, nvec_row):
                tot = tot + es[k]
            ssum = jnp.sum(tot)
            for k in range(nvec_row):
                pol_v[pl.ds(base + k * _L, _L)] = es[k] / ssum

        def row_block(rb, _):
            for u in range(4):
                row_body(rb * 4 + u)
            return 0

        with jax.named_scope("sc_rows"):
            lax.fori_loop(0, ag_per // 4, row_block, 0)
        cp_p = pltpu.async_copy(pol_v, pol_hbm.at[pl.ds(ag0 * deg, edges_per)],
                                sem_e)

        @pl.when(wid == 0)
        def _():
            pltpu.make_async_copy(a_hbm.at[pl.ds(0, n_ag)], aval_v,
                                  sem_v).wait()

            nv = n_ag // _L

            def pass1(i, c):
                x = aval_v[pl.ds(i * _L, _L)]
                x = jnp.where(x >= 0.0, x, _NEG_SLOPE * x)
                aval_v[pl.ds(i * _L, _L)] = x
                return jnp.maximum(c, x)

            mv = lax.fori_loop(0, nv, pass1,
                               jnp.full((_L,), -1e30, jnp.float32))
            m = jnp.max(mv)

            def pass2(i, c):
                e = jnp.exp(aval_v[pl.ds(i * _L, _L)] - m)
                aval_v[pl.ds(i * _L, _L)] = e
                return c + e

            sv = lax.fori_loop(0, nv, pass2, jnp.zeros((_L,), jnp.float32))
            ssum = jnp.sum(sv)

            def pass3(i, _):
                aval_v[pl.ds(i * _L, _L)] = aval_v[pl.ds(i * _L, _L)] / ssum
                return 0

            with jax.named_scope("sc_agsm"):
                lax.fori_loop(0, nv, pass3, 0)
                pltpu.sync_copy(aval_v, agp_hbm)

        cp_p.wait()

    return body(t_full, g_full, a_full, ci_flat, agi)


def kernel(nf, ag_node_indices, task_node_indices, task_finished,
           edge_task_idx, W_att, W_ag):
    n, d = nf.shape
    n_ag, deg = edge_task_idx.shape
    n_task = task_node_indices.shape[0]
    ci_flat = _sc_compose(task_node_indices, edge_task_idx.reshape(-1),
                          n_ag, deg, n_task)
    t_full, g_full, a_full = _node_dots(nf, W_att, W_ag)
    pol_flat, agp = _sc_attention(
        t_full, g_full, a_full, ci_flat, ag_node_indices, n_ag, deg, n_task)
    return pol_flat.reshape(n_ag, deg), agp

# --- scband reference (transcript-rebuilt; emitter-appended) ---
"""Pipeline reference for scband-bipartite-44014824849868 (READ-ONLY COPY).

The authoritative reference and input builder live on the scoring server;
editing this copy changes nothing except your own understanding.
"""

import jax, jax.numpy as jnp
import numpy as np

NEG_SLOPE = 0.01

def leaky_relu(x):
    return jnp.where(x >= 0, x, NEG_SLOPE * x)

def setup_inputs(seed: int = 0) -> dict:
    key = jax.random.key(seed)
    ks = jax.random.split(key, 7)
    N, d = 50000, 128
    n_ag, n_task, deg = 4096, 40000, 64
    nf = jax.random.normal(ks[0], (N, d), dtype=jnp.float32)
    ag_node_indices = jax.random.randint(ks[1], (n_ag,), 0, N)
    task_node_indices = jax.random.randint(ks[2], (n_task,), 0, N)
    task_finished = jnp.zeros((n_task,), dtype=bool)
    edge_task_idx = jax.random.randint(ks[3], (n_ag, deg), 0, n_task)
    # learned params: attention_fc Linear(2d -> 1, no bias), ag_score Linear(d -> 1, no bias)
    W_att = jax.random.normal(ks[4], (2 * d, 1), dtype=jnp.float32) / np.sqrt(2 * d)
    W_ag = jax.random.normal(ks[5], (d, 1), dtype=jnp.float32) / np.sqrt(d)
    return {
        'nf': nf,
        'ag_node_indices': ag_node_indices,
        'task_node_indices': task_node_indices,
        'task_finished': task_finished,
        'edge_task_idx': edge_task_idx,
        'W_att': W_att,
        'W_ag': W_ag,
    }

def reference(nf, ag_node_indices, task_node_indices, task_finished, edge_task_idx, W_att, W_ag):
    # g.nodes[...].data['nf'] gathers
    ag_nfs = jnp.take(nf, ag_node_indices, axis=0)            # [n_ag, d]
    task_nfs = jnp.take(nf, task_node_indices, axis=0)        # [n_task, d] (task_finished all False -> no removal)
    # message: for each (ag, incoming task) edge, score = LeakyReLU(Linear(cat(src_task, dst_ag)))
    src = jnp.take(task_nfs, edge_task_idx, axis=0)           # [n_ag, deg, d] edge gather
    dst = jnp.broadcast_to(ag_nfs[:, None, :], src.shape)     # [n_ag, deg, d]
    m = jnp.concatenate([src, dst], axis=-1)                  # [n_ag, deg, 2d]
    score = leaky_relu(jnp.einsum('eij,jk->eik', m, W_att))   # [n_ag, deg, 1]
    # reduce: softmax over mailbox (incoming edges) per ag node
    policy = jax.nn.softmax(score, axis=1).squeeze(-1)        # [n_ag, deg]
    ag_score = leaky_relu(ag_nfs @ W_ag).squeeze(-1)          # [n_ag]
    ag_policy = jax.nn.softmax(ag_score, axis=-1)             # [n_ag]
    return policy, ag_policy

if __name__ == "__main__":
    import jax
    _d = setup_inputs()
    print(jax.jit(kernel)(*tuple(_d.values())))

</pallas_src>

<mosaic_0001>
#map = affine_map<(d0, d1) -> (0)>
module attributes {stable_mosaic.version = 14 : i64} {
  func.func @body(%arg0: i32, %arg1: i32, %arg2: memref<40000xi32, #tpu.memory_space<hbm>>, %arg3: memref<262144xi32, #tpu.memory_space<hbm>>, %arg4: memref<262144xi32, #tpu.memory_space<hbm>>, %arg5: memref<40000xi32, #tpu.memory_space<vmem>>, %arg6: memref<8192xi32, #tpu.memory_space<vmem>>, %arg7: memref<8192xi32, #tpu.memory_space<vmem>>, %arg8: memref<!tpu.dma_semaphore, #tpu.memory_space<semaphore_mem>>, %arg9: memref<!tpu.dma_semaphore, #tpu.memory_space<semaphore_mem>>) attributes {dimension_semantics = [#tpu.dimension_semantics<core_parallel>, #tpu.dimension_semantics<subcore_parallel>], iteration_bounds = array<i64: 2, 16>, scalar_prefetch = 0 : i64, scratch_operands = 5 : i64, tpu.core_type = #tpu.core_type<sc_vector_subcore>, window_params = [{transform_indices = #map}, {transform_indices = #map}, {transform_indices = #map}]} {
    %mul3A = arith.constant 2 : i32
    %mul3A_0 = arith.muli %arg1, %mul3A : i32
    %add3A = arith.addi %mul3A_0, %arg0 : i32
    %mul3A_1 = arith.constant 8192 : i32
    %mul3A_2 = arith.muli %add3A, %mul3A_1 : i32
    %add3A_3 = arith.constant 0 : i32
    %add3A_4 = arith.addi %add3A, %add3A_3 : i32
    %rem3A = arith.constant 5 : i32
    %rem3A_5 = arith.remsi %add3A_4, %rem3A : i32
    %mul3A_6 = arith.constant 8000 : i32
    %mul3A_7 = arith.muli %rem3A_5, %mul3A_6 : i32
    %dma_start3A = tpu.memref_slice %arg5[%mul3A_7] : memref<40000xi32, #tpu.memory_space<vmem>> -> memref<8000xi32, #tpu.memory_space<vmem>>
    %dma_start3A_8 = tpu.memref_slice %arg2[%mul3A_7] : memref<40000xi32, #tpu.memory_space<hbm>> -> memref<8000xi32, #tpu.memory_space<hbm>>
    %dma_start3A_9 = tpu.memref_slice %arg5[%mul3A_7] : memref<40000xi32, #tpu.memory_space<vmem>> -> memref<8000xi32, #tpu.memory_space<vmem>>
    %dma_start3A_10 = tpu.memref_slice %arg2[%mul3A_7] : memref<40000xi32, #tpu.memory_space<hbm>> -> memref<8000xi32, #tpu.memory_space<hbm>>
    tpu.enqueue_dma source(%dma_start3A_10 : memref<8000xi32, #tpu.memory_space<hbm>>) target(%dma_start3A_9 : memref<8000xi32, #tpu.memory_space<vmem>>) target_semaphore(%arg8 : memref<!tpu.dma_semaphore, #tpu.memory_space<semaphore_mem>>)
    %add3A_11 = arith.constant 1 : i32
    %add3A_12 = arith.addi %add3A, %add3A_11 : i32
    %rem3A_13 = arith.constant 5 : i32
    %rem3A_14 = arith.remsi %add3A_12, %rem3A_13 : i32
    %mul3A_15 = arith.constant 8000 : i32
    %mul3A_16 = arith.muli %rem3A_14, %mul3A_15 : i32
    %dma_start3A_17 = tpu.memref_slice %arg5[%mul3A_16] : memref<40000xi32, #tpu.memory_space<vmem>> -> memref<8000xi32, #tpu.memory_space<vmem>>
    %dma_start3A_18 = tpu.memref_slice %arg2[%mul3A_16] : memref<40000xi32, #tpu.memory_space<hbm>> -> memref<8000xi32, #tpu.memory_space<hbm>>
    %dma_start3A_19 = tpu.memref_slice %arg5[%mul3A_16] : memref<40000xi32, #tpu.memory_space<vmem>> -> memref<8000xi32, #tpu.memory_space<vmem>>
    %dma_start3A_20 = tpu.memref_slice %arg2[%mul3A_16] : memref<40000xi32, #tpu.memory_space<hbm>> -> memref<8000xi32, #tpu.memory_space<hbm>>
    tpu.enqueue_dma source(%dma_start3A_20 : memref<8000xi32, #tpu.memory_space<hbm>>) target(%dma_start3A_19 : memref<8000xi32, #tpu.memory_space<vmem>>) target_semaphore(%arg8 : memref<!tpu.dma_semaphore, #tpu.memory_space<semaphore_mem>>)
    %add3A_21 = arith.constant 2 : i32
    %add3A_22 = arith.addi %add3A, %add3A_21 : i32
    %rem3A_23 = arith.constant 5 : i32
    %rem3A_24 = arith.remsi %add3A_22, %rem3A_23 : i32
    %mul3A_25 = arith.constant 8000 : i32
    %mul3A_26 = arith.muli %rem3A_24, %mul3A_25 : i32
    %dma_start3A_27 = tpu.memref_slice %arg5[%mul3A_26] : memref<40000xi32, #tpu.memory_space<vmem>> -> memref<8000xi32, #tpu.memory_space<vmem>>
    %dma_start3A_28 = tpu.memref_slice %arg2[%mul3A_26] : memref<40000xi32, #tpu.memory_space<hbm>> -> memref<8000xi32, #tpu.memory_space<hbm>>
    %dma_start3A_29 = tpu.memref_slice %arg5[%mul3A_26] : memref<40000xi32, #tpu.memory_space<vmem>> -> memref<8000xi32, #tpu.memory_space<vmem>>
    %dma_start3A_30 = tpu.memref_slice %arg2[%mul3A_26] : memref<40000xi32, #tpu.memory_space<hbm>> -> memref<8000xi32, #tpu.memory_space<hbm>>
    tpu.enqueue_dma source(%dma_start3A_30 : memref<8000xi32, #tpu.memory_space<hbm>>) target(%dma_start3A_29 : memref<8000xi32, #tpu.memory_space<vmem>>) target_semaphore(%arg8 : memref<!tpu.dma_semaphore, #tpu.memory_space<semaphore_mem>>)
    %add3A_31 = arith.constant 3 : i32
    %add3A_32 = arith.addi %add3A, %add3A_31 : i32
    %rem3A_33 = arith.constant 5 : i32
    %rem3A_34 = arith.remsi %add3A_32, %rem3A_33 : i32
    %mul3A_35 = arith.constant 8000 : i32
    %mul3A_36 = arith.muli %rem3A_34, %mul3A_35 : i32
    %dma_start3A_37 = tpu.memref_slice %arg5[%mul3A_36] : memref<40000xi32, #tpu.memory_space<vmem>> -> memref<8000xi32, #tpu.memory_space<vmem>>
    %dma_start3A_38 = tpu.memref_slice %arg2[%mul3A_36] : memref<40000xi32, #tpu.memory_space<hbm>> -> memref<8000xi32, #tpu.memory_space<hbm>>
    %dma_start3A_39 = tpu.memref_slice %arg5[%mul3A_36] : memref<40000xi32, #tpu.memory_space<vmem>> -> memref<8000xi32, #tpu.memory_space<vmem>>
    %dma_start3A_40 = tpu.memref_slice %arg2[%mul3A_36] : memref<40000xi32, #tpu.memory_space<hbm>> -> memref<8000xi32, #tpu.memory_space<hbm>>
    tpu.enqueue_dma source(%dma_start3A_40 : memref<8000xi32, #tpu.memory_space<hbm>>) target(%dma_start3A_39 : memref<8000xi32, #tpu.memory_space<vmem>>) target_semaphore(%arg8 : memref<!tpu.dma_semaphore, #tpu.memory_space<semaphore_mem>>)
    %add3A_41 = arith.constant 4 : i32
    %add3A_42 = arith.addi %add3A, %add3A_41 : i32
    %rem3A_43 = arith.constant 5 : i32
    %rem3A_44 = arith.remsi %add3A_42, %rem3A_43 : i32
    %mul3A_45 = arith.constant 8000 : i32
    %mul3A_46 = arith.muli %rem3A_44, %mul3A_45 : i32
    %dma_start3A_47 = tpu.memref_slice %arg5[%mul3A_46] : memref<40000xi32, #tpu.memory_space<vmem>> -> memref<8000xi32, #tpu.memory_space<vmem>>
    %dma_start3A_48 = tpu.memref_slice %arg2[%mul3A_46] : memref<40000xi32, #tpu.memory_space<hbm>> -> memref<8000xi32, #tpu.memory_space<hbm>>
    %dma_start3A_49 = tpu.memref_slice %arg5[%mul3A_46] : memref<40000xi32, #tpu.memory_space<vmem>> -> memref<8000xi32, #tpu.memory_space<vmem>>
    %dma_start3A_50 = tpu.memref_slice %arg2[%mul3A_46] : memref<40000xi32, #tpu.memory_space<hbm>> -> memref<8000xi32, #tpu.memory_space<hbm>>
    tpu.enqueue_dma source(%dma_start3A_50 : memref<8000xi32, #tpu.memory_space<hbm>>) target(%dma_start3A_49 : memref<8000xi32, #tpu.memory_space<vmem>>) target_semaphore(%arg8 : memref<!tpu.dma_semaphore, #tpu.memory_space<semaphore_mem>>)
    %dma_start3A_51 = tpu.memref_slice %arg3[%mul3A_2] : memref<262144xi32, #tpu.memory_space<hbm>> -> memref<8192xi32, #tpu.memory_space<hbm>>
    %dma_start3A_52 = tpu.memref_slice %arg3[%mul3A_2] : memref<262144xi32, #tpu.memory_space<hbm>> -> memref<8192xi32, #tpu.memory_space<hbm>>
    tpu.enqueue_dma source(%dma_start3A_52 : memref<8192xi32, #tpu.memory_space<hbm>>) target(%arg6 : memref<8192xi32, #tpu.memory_space<vmem>>) target_semaphore(%arg9 : memref<!tpu.dma_semaphore, #tpu.memory_space<semaphore_mem>>)
    "tpu.trace_start"() <{level = 10 : i32, message = "sc_a_stage"}> : () -> ()
    %dma_wait3A = tpu.memref_slice %arg5[%mul3A_7] : memref<40000xi32, #tpu.memory_space<vmem>> -> memref<8000xi32, #tpu.memory_space<vmem>>
    %dma_wait3A_53 = tpu.memref_slice %arg2[%mul3A_7] : memref<40000xi32, #tpu.memory_space<hbm>> -> memref<8000xi32, #tpu.memory_space<hbm>>
    %dma_wait3A_54 = tpu.memref_slice %arg5[%mul3A_7] : memref<40000xi32, #tpu.memory_space<vmem>> -> memref<8000xi32, #tpu.memory_space<vmem>>
    %dma_wait3A_55 = tpu.memref_slice %arg2[%mul3A_7] : memref<40000xi32, #tpu.memory_space<hbm>> -> memref<8000xi32, #tpu.memory_space<hbm>>
    tpu.wait_dma2 semaphore(%arg8 : memref<!tpu.dma_semaphore, #tpu.memory_space<semaphore_mem>>) src(%dma_wait3A_55 : memref<8000xi32, #tpu.memory_space<hbm>>) dst(%dma_wait3A_54 : memref<8000xi32, #tpu.memory_space<vmem>>)
    %dma_wait3A_56 = tpu.memref_slice %arg5[%mul3A_16] : memref<40000xi32, #tpu.memory_space<vmem>> -> memref<8000xi32, #tpu.memory_space<vmem>>
    %dma_wait3A_57 = tpu.memref_slice %arg2[%mul3A_16] : memref<40000xi32, #tpu.memory_space<hbm>> -> memref<8000xi32, #tpu.memory_space<hbm>>
    %dma_wait3A_58 = tpu.memref_slice %arg5[%mul3A_16] : memref<40000xi32, #tpu.memory_space<vmem>> -> memref<8000xi32, #tpu.memory_space<vmem>>
    %dma_wait3A_59 = tpu.memref_slice %arg2[%mul3A_16] : memref<40000xi32, #tpu.memory_space<hbm>> -> memref<8000xi32, #tpu.memory_space<hbm>>
    tpu.wait_dma2 semaphore(%arg8 : memref<!tpu.dma_semaphore, #tpu.memory_space<semaphore_mem>>) src(%dma_wait3A_59 : memref<8000xi32, #tpu.memory_space<hbm>>) dst(%dma_wait3A_58 : memref<8000xi32, #tpu.memory_space<vmem>>)
    %dma_wait3A_60 = tpu.memref_slice %arg5[%mul3A_26] : memref<40000xi32, #tpu.memory_space<vmem>> -> memref<8000xi32, #tpu.memory_space<vmem>>
    %dma_wait3A_61 = tpu.memref_slice %arg2[%mul3A_26] : memref<40000xi32, #tpu.memory_space<hbm>> -> memref<8000xi32, #tpu.memory_space<hbm>>
    %dma_wait3A_62 = tpu.memref_slice %arg5[%mul3A_26] : memref<40000xi32, #tpu.memory_space<vmem>> -> memref<8000xi32, #tpu.memory_space<vmem>>
    %dma_wait3A_63 = tpu.memref_slice %arg2[%mul3A_26] : memref<40000xi32, #tpu.memory_space<hbm>> -> memref<8000xi32, #tpu.memory_space<hbm>>
    tpu.wait_dma2 semaphore(%arg8 : memref<!tpu.dma_semaphore, #tpu.memory_space<semaphore_mem>>) src(%dma_wait3A_63 : memref<8000xi32, #tpu.memory_space<hbm>>) dst(%dma_wait3A_62 : memref<8000xi32, #tpu.memory_space<vmem>>)
    %dma_wait3A_64 = tpu.memref_slice %arg5[%mul3A_36] : memref<40000xi32, #tpu.memory_space<vmem>> -> memref<8000xi32, #tpu.memory_space<vmem>>
    %dma_wait3A_65 = tpu.memref_slice %arg2[%mul3A_36] : memref<40000xi32, #tpu.memory_space<hbm>> -> memref<8000xi32, #tpu.memory_space<hbm>>
    %dma_wait3A_66 = tpu.memref_slice %arg5[%mul3A_36] : memref<40000xi32, #tpu.memory_space<vmem>> -> memref<8000xi32, #tpu.memory_space<vmem>>
    %dma_wait3A_67 = tpu.memref_slice %arg2[%mul3A_36] : memref<40000xi32, #tpu.memory_space<hbm>> -> memref<8000xi32, #tpu.memory_space<hbm>>
    tpu.wait_dma2 semaphore(%arg8 : memref<!tpu.dma_semaphore, #tpu.memory_space<semaphore_mem>>) src(%dma_wait3A_67 : memref<8000xi32, #tpu.memory_space<hbm>>) dst(%dma_wait3A_66 : memref<8000xi32, #tpu.memory_space<vmem>>)
    %dma_wait3A_68 = tpu.memref_slice %arg5[%mul3A_46] : memref<40000xi32, #tpu.memory_space<vmem>> -> memref<8000xi32, #tpu.memory_space<vmem>>
    %dma_wait3A_69 = tpu.memref_slice %arg2[%mul3A_46] : memref<40000xi32, #tpu.memory_space<hbm>> -> memref<8000xi32, #tpu.memory_space<hbm>>
    %dma_wait3A_70 = tpu.memref_slice %arg5[%mul3A_46] : memref<40000xi32, #tpu.memory_space<vmem>> -> memref<8000xi32, #tpu.memory_space<vmem>>
    %dma_wait3A_71 = tpu.memref_slice %arg2[%mul3A_46] : memref<40000xi32, #tpu.memory_space<hbm>> -> memref<8000xi32, #tpu.memory_space<hbm>>
    tpu.wait_dma2 semaphore(%arg8 : memref<!tpu.dma_semaphore, #tpu.memory_space<semaphore_mem>>) src(%dma_wait3A_71 : memref<8000xi32, #tpu.memory_space<hbm>>) dst(%dma_wait3A_70 : memref<8000xi32, #tpu.memory_space<vmem>>)
    %dma_wait3A_72 = tpu.memref_slice %arg3[%mul3A_2] : memref<262144xi32, #tpu.memory_space<hbm>> -> memref<8192xi32, #tpu.memory_space<hbm>>
    %dma_wait3A_73 = tpu.memref_slice %arg3[%mul3A_2] : memref<262144xi32, #tpu.memory_space<hbm>> -> memref<8192xi32, #tpu.memory_space<hbm>>
    tpu.wait_dma2 semaphore(%arg9 : memref<!tpu.dma_semaphore, #tpu.memory_space<semaphore_mem>>) src(%dma_wait3A_73 : memref<8192xi32, #tpu.memory_space<hbm>>) dst(%arg6 : memref<8192xi32, #tpu.memory_space<vmem>>)
    "tpu.trace_stop"() : () -> ()
    "tpu.trace_start"() <{level = 10 : i32, message = "sc_a_compose"}> : () -> ()
    %scan3A = arith.constant 0 : i32
    %scan3A_74 = arith.constant 0 : i32
    %scan3A_75 = arith.constant 64 : i32
    %scan3A_76 = arith.addi %scan3A_74, %scan3A_75 : i32
    %scan3A_77 = arith.constant 1 : i32
    %scan3A_78 = scf.for %scan3A_80 = %scan3A_74 to %scan3A_76 step %scan3A_77 iter_args(%scan3A_81 = %scan3A) -> (i32)  : i32 {
      %mul3A_82 = arith.constant 8 : i32
      %mul3A_83 = arith.muli %scan3A_80, %mul3A_82 : i32
      %add3A_84 = arith.constant 0 : i32
      %add3A_85 = arith.addi %mul3A_83, %add3A_84 : i32
      %mul3A_86 = arith.constant 16 : i32
      %mul3A_87 = arith.muli %add3A_85, %mul3A_86 : i32
      %get3A = arith.index_cast %mul3A_87 : i32 to index
      %get3A_88 = tpu.vector_load %arg6[%get3A] {strides = array<i32>} : memref<8192xi32, #tpu.memory_space<vmem>>, vector<16xi32>,
      %gather3A = tpu.vector_load_idx %arg5[%get3A_88] : memref<40000xi32, #tpu.memory_space<vmem>>[vector<16xi32>], vector<16xi32>,
      %swap3A = arith.index_cast %mul3A_87 : i32 to index
      %swap3A_89 = tpu.vector_load %arg7[%swap3A] {strides = array<i32>} : memref<8192xi32, #tpu.memory_space<vmem>>, vector<16xi32>,
      tpu.vector_store %arg7[%swap3A], %gather3A {strides = array<i32>} : memref<8192xi32, #tpu.memory_space<vmem>>, vector<16xi32>,
      %mul3A_90 = arith.constant 8 : i32
      %mul3A_91 = arith.muli %scan3A_80, %mul3A_90 : i32
      %add3A_92 = arith.constant 1 : i32
      %add3A_93 = arith.addi %mul3A_91, %add3A_92 : i32
      %mul3A_94 = arith.constant 16 : i32
      %mul3A_95 = arith.muli %add3A_93, %mul3A_94 : i32
      %get3A_96 = arith.index_cast %mul3A_95 : i32 to index
      %get3A_97 = tpu.vector_load %arg6[%get3A_96] {strides = array<i32>} : memref<8192xi32, #tpu.memory_space<vmem>>, vector<16xi32>,
      %gather3A_98 = tpu.vector_load_idx %arg5[%get3A_97] : memref<40000xi32, #tpu.memory_space<vmem>>[vector<16xi32>], vector<16xi32>,
      %swap3A_99 = arith.index_cast %mul3A_95 : i32 to index
      %swap3A_100 = tpu.vector_load %arg7[%swap3A_99] {strides = array<i32>} : memref<8192xi32, #tpu.memory_space<vmem>>, vector<16xi32>,
      tpu.vector_store %arg7[%swap3A_99], %gather3A_98 {strides = array<i32>} : memref<8192xi32, #tpu.memory_space<vmem>>, vector<16xi32>,
      %mul3A_101 = arith.constant 8 : i32
      %mul3A_102 = arith.muli %scan3A_80, %mul3A_101 : i32
      %add3A_103 = arith.constant 2 : i32
      %add3A_104 = arith.addi %mul3A_102, %add3A_103 : i32
      %mul3A_105 = arith.constant 16 : i32
      %mul3A_106 = arith.muli %add3A_104, %mul3A_105 : i32
      %get3A_107 = arith.index_cast %mul3A_106 : i32 to index
      %get3A_108 = tpu.vector_load %arg6[%get3A_107] {strides = array<i32>} : memref<8192xi32, #tpu.memory_space<vmem>>, vector<16xi32>,
      %gather3A_109 = tpu.vector_load_idx %arg5[%get3A_108] : memref<40000xi32, #tpu.memory_space<vmem>>[vector<16xi32>], vector<16xi32>,
      %swap3A_110 = arith.index_cast %mul3A_106 : i32 to index
      %swap3A_111 = tpu.vector_load %arg7[%swap3A_110] {strides = array<i32>} : memref<8192xi32, #tpu.memory_space<vmem>>, vector<16xi32>,
      tpu.vector_store %arg7[%swap3A_110], %gather3A_109 {strides = array<i32>} : memref<8192xi32, #tpu.memory_space<vmem>>, vector<16xi32>,
      %mul3A_112 = arith.constant 8 : i32
      %mul3A_113 = arith.muli %scan3A_80, %mul3A_112 : i32
      %add3A_114 = arith.constant 3 : i32
      %add3A_115 = arith.addi %mul3A_113, %add3A_114 : i32
      %mul3A_116 = arith.constant 16 : i32
      %mul3A_117 = arith.muli %add3A_115, %mul3A_116 : i32
      %get3A_118 = arith.index_cast %mul3A_117 : i32 to index
      %get3A_119 = tpu.vector_load %arg6[%get3A_118] {strides = array<i32>} : memref<8192xi32, #tpu.memory_space<vmem>>, vector<16xi32>,
      %gather3A_120 = tpu.vector_load_idx %arg5[%get3A_119] : memref<40000xi32, #tpu.memory_space<vmem>>[vector<16xi32>], vector<16xi32>,
      %swap3A_121 = arith.index_cast %mul3A_117 : i32 to index
      %swap3A_122 = tpu.vector_load %arg7[%swap3A_121] {strides = array<i32>} : memref<8192xi32, #tpu.memory_space<vmem>>, vector<16xi32>,
      tpu.vector_store %arg7[%swap3A_121], %gather3A_120 {strides = array<i32>} : memref<8192xi32, #tpu.memory_space<vmem>>, vector<16xi32>,
      %mul3A_123 = arith.constant 8 : i32
      %mul3A_124 = arith.muli %scan3A_80, %mul3A_123 : i32
      %add3A_125 = arith.constant 4 : i32
      %add3A_126 = arith.addi %mul3A_124, %add3A_125 : i32
      %mul3A_127 = arith.constant 16 : i32
      %mul3A_128 = arith.muli %add3A_126, %mul3A_127 : i32
      %get3A_129 = arith.index_cast %mul3A_128 : i32 to index
      %get3A_130 = tpu.vector_load %arg6[%get3A_129] {strides = array<i32>} : memref<8192xi32, #tpu.memory_space<vmem>>, vector<16xi32>,
      %gather3A_131 = tpu.vector_load_idx %arg5[%get3A_130] : memref<40000xi32, #tpu.memory_space<vmem>>[vector<16xi32>], vector<16xi32>,
      %swap3A_132 = arith.index_cast %mul3A_128 : i32 to index
      %swap3A_133 = tpu.vector_load %arg7[%swap3A_132] {strides = array<i32>} : memref<8192xi32, #tpu.memory_space<vmem>>, vector<16xi32>,
      tpu.vector_store %arg7[%swap3A_132], %gather3A_131 {strides = array<i32>} : memref<8192xi32, #tpu.memory_space<vmem>>, vector<16xi32>,
      %mul3A_134 = arith.constant 8 : i32
      %mul3A_135 = arith.muli %scan3A_80, %mul3A_134 : i32
      %add3A_136 = arith.constant 5 : i32
      %add3A_137 = arith.addi %mul3A_135, %add3A_136 : i32
      %mul3A_138 = arith.constant 16 : i32
      %mul3A_139 = arith.muli %add3A_137, %mul3A_138 : i32
      %get3A_140 = arith.index_cast %mul3A_139 : i32 to index
      %get3A_141 = tpu.vector_load %arg6[%get3A_140] {strides = array<i32>} : memref<8192xi32, #tpu.memory_space<vmem>>, vector<16xi32>,
      %gather3A_142 = tpu.vector_load_idx %arg5[%get3A_141] : memref<40000xi32, #tpu.memory_space<vmem>>[vector<16xi32>], vector<16xi32>,
      %swap3A_143 = arith.index_cast %mul3A_139 : i32 to index
      %swap3A_144 = tpu.vector_load %arg7[%swap3A_143] {strides = array<i32>} : memref<8192xi32, #tpu.memory_space<vmem>>, vector<16xi32>,
      tpu.vector_store %arg7[%swap3A_143], %gather3A_142 {strides = array<i32>} : memref<8192xi32, #tpu.memory_space<vmem>>, vector<16xi32>,
      %mul3A_145 = arith.constant 8 : i32
      %mul3A_146 = arith.muli %scan3A_80, %mul3A_145 : i32
      %add3A_147 = arith.constant 6 : i32
      %add3A_148 = arith.addi %mul3A_146, %add3A_147 : i32
      %mul3A_149 = arith.constant 16 : i32
      %mul3A_150 = arith.muli %add3A_148, %mul3A_149 : i32
      %get3A_151 = arith.index_cast %mul3A_150 : i32 to index
      %get3A_152 = tpu.vector_load %arg6[%get3A_151] {strides = array<i32>} : memref<8192xi32, #tpu.memory_space<vmem>>, vector<16xi32>,
      %gather3A_153 = tpu.vector_load_idx %arg5[%get3A_152] : memref<40000xi32, #tpu.memory_space<vmem>>[vector<16xi32>], vector<16xi32>,
      %swap3A_154 = arith.index_cast %mul3A_150 : i32 to index
      %swap3A_155 = tpu.vector_load %arg7[%swap3A_154] {strides = array<i32>} : memref<8192xi32, #tpu.memory_space<vmem>>, vector<16xi32>,
      tpu.vector_store %arg7[%swap3A_154], %gather3A_153 {strides = array<i32>} : memref<8192xi32, #tpu.memory_space<vmem>>, vector<16xi32>,
      %mul3A_156 = arith.constant 8 : i32
      %mul3A_157 = arith.muli %scan3A_80, %mul3A_156 : i32
      %add3A_158 = arith.constant 7 : i32
      %add3A_159 = arith.addi %mul3A_157, %add3A_158 : i32
      %mul3A_160 = arith.constant 16 : i32
      %mul3A_161 = arith.muli %add3A_159, %mul3A_160 : i32
      %get3A_162 = arith.index_cast %mul3A_161 : i32 to index
      %get3A_163 = tpu.vector_load %arg6[%get3A_162] {strides = array<i32>} : memref<8192xi32, #tpu.memory_space<vmem>>, vector<16xi32>,
      %gather3A_164 = tpu.vector_load_idx %arg5[%get3A_163] : memref<40000xi32, #tpu.memory_space<vmem>>[vector<16xi32>], vector<16xi32>,
      %swap3A_165 = arith.index_cast %mul3A_161 : i32 to index
      %swap3A_166 = tpu.vector_load %arg7[%swap3A_165] {strides = array<i32>} : memref<8192xi32, #tpu.memory_space<vmem>>, vector<16xi32>,
      tpu.vector_store %arg7[%swap3A_165], %gather3A_164 {strides = array<i32>} : memref<8192xi32, #tpu.memory_space<vmem>>, vector<16xi32>,
      %scan3A_167 = arith.constant 0 : i32
      scf.yield %scan3A_167 : i32
    }
    %scan3A_79 = arith.constant 64 : i32
    "tpu.trace_stop"() : () -> ()
    "tpu.region"() ({
      %run_scoped3A = tpu.sem_alloc : memref<!tpu.dma_semaphore, #tpu.memory_space<semaphore_mem>>
      %dma_start3A_80 = tpu.memref_slice %arg4[%mul3A_2] : memref<262144xi32, #tpu.memory_space<hbm>> -> memref<8192xi32, #tpu.memory_space<hbm>>
      %dma_start3A_81 = tpu.memref_slice %arg4[%mul3A_2] : memref<262144xi32, #tpu.memory_space<hbm>> -> memref<8192xi32, #tpu.memory_space<hbm>>
      tpu.enqueue_dma source(%arg7 : memref<8192xi32, #tpu.memory_space<vmem>>) target(%dma_start3A_81 : memref<8192xi32, #tpu.memory_space<hbm>>) target_semaphore(%run_scoped3A : memref<!tpu.dma_semaphore, #tpu.memory_space<semaphore_mem>>)
      %dma_wait3A_82 = tpu.memref_slice %arg4[%mul3A_2] : memref<262144xi32, #tpu.memory_space<hbm>> -> memref<8192xi32, #tpu.memory_space<hbm>>
      %dma_wait3A_83 = tpu.memref_slice %arg4[%mul3A_2] : memref<262144xi32, #tpu.memory_space<hbm>> -> memref<8192xi32, #tpu.memory_space<hbm>>
      tpu.wait_dma2 semaphore(%run_scoped3A : memref<!tpu.dma_semaphore, #tpu.memory_space<semaphore_mem>>) src(%arg7 : memref<8192xi32, #tpu.memory_space<vmem>>) dst(%dma_wait3A_83 : memref<8192xi32, #tpu.memory_space<hbm>>)
      tpu.yield
    }) : () -> ()
    return
  }
}

#map = affine_map<(d0, d1) -> (0)>
module attributes {stable_mosaic.version = 14 : i64} {
  func.func @body(%arg0: i32, %arg1: i32, %arg2: memref<50000xf32, #tpu.memory_space<hbm>>, %arg3: memref<50000xf32, #tpu.memory_space<hbm>>, %arg4: memref<50000xf32, #tpu.memory_space<hbm>>, %arg5: memref<262144xi32, #tpu.memory_space<hbm>>, %arg6: memref<4096xi32, #tpu.memory_space<hbm>>, %arg7: memref<262144xf32, #tpu.memory_space<hbm>>, %arg8: memref<4096xf32, #tpu.memory_space<hbm>>, %arg9: memref<50000xf32, #tpu.memory_space<vmem>>, %arg10: memref<8192xi32, #tpu.memory_space<vmem>>, %arg11: memref<128xi32, #tpu.memory_space<vmem>>, %arg12: memref<128xf32, #tpu.memory_space<vmem>>, %arg13: memref<8192xf32, #tpu.memory_space<vmem>>, %arg14: memref<4096xi32, #tpu.memory_space<vmem>>, %arg15: memref<4096xf32, #tpu.memory_space<vmem>>, %arg16: memref<!tpu.dma_semaphore, #tpu.memory_space<semaphore_mem>>, %arg17: memref<!tpu.dma_semaphore, #tpu.memory_space<semaphore_mem>>, %arg18: memref<!tpu.dma_semaphore, #tpu.memory_space<semaphore_mem>>, %arg19: memref<!tpu.dma_semaphore, #tpu.memory_space<semaphore_mem>>, %arg20: memref<!tpu.dma_semaphore, #tpu.memory_space<semaphore_mem>>) attributes {dimension_semantics = [#tpu.dimension_semantics<core_parallel>, #tpu.dimension_semantics<subcore_parallel>], iteration_bounds = array<i64: 2, 16>, scalar_prefetch = 0 : i64, scratch_operands = 12 : i64, tpu.core_type = #tpu.core_type<sc_vector_subcore>, window_params = [{transform_indices = #map}, {transform_indices = #map}, {transform_indices = #map}, {transform_indices = #map}, {transform_indices = #map}, {transform_indices = #map}, {transform_indices = #map}]} {
    %mul3A = arith.constant 2 : i32
    %mul3A_0 = arith.muli %arg1, %mul3A : i32
    %add3A = arith.addi %mul3A_0, %arg0 : i32
    %mul3A_1 = arith.constant 128 : i32
    %mul3A_2 = arith.muli %add3A, %mul3A_1 : i32
    %dma_start3A = tpu.memref_slice %arg6[%mul3A_2] : memref<4096xi32, #tpu.memory_space<hbm>> -> memref<128xi32, #tpu.memory_space<hbm>>
    %dma_start3A_3 = tpu.memref_slice %arg6[%mul3A_2] : memref<4096xi32, #tpu.memory_space<hbm>> -> memref<128xi32, #tpu.memory_space<hbm>>
    tpu.enqueue_dma source(%dma_start3A_3 : memref<128xi32, #tpu.memory_space<hbm>>) target(%arg11 : memref<128xi32, #tpu.memory_space<vmem>>) target_semaphore(%arg18 : memref<!tpu.dma_semaphore, #tpu.memory_space<semaphore_mem>>)
    %dma_wait3A = tpu.memref_slice %arg6[%mul3A_2] : memref<4096xi32, #tpu.memory_space<hbm>> -> memref<128xi32, #tpu.memory_space<hbm>>
    %dma_wait3A_4 = tpu.memref_slice %arg6[%mul3A_2] : memref<4096xi32, #tpu.memory_space<hbm>> -> memref<128xi32, #tpu.memory_space<hbm>>
    tpu.wait_dma2 semaphore(%arg18 : memref<!tpu.dma_semaphore, #tpu.memory_space<semaphore_mem>>) src(%dma_wait3A_4 : memref<128xi32, #tpu.memory_space<hbm>>) dst(%arg11 : memref<128xi32, #tpu.memory_space<vmem>>)
    %dma_start3A_5 = arith.constant 0 : i32
    %dma_start3A_6 = tpu.memref_slice %arg3[%dma_start3A_5] : memref<50000xf32, #tpu.memory_space<hbm>> -> memref<50000xf32, #tpu.memory_space<hbm>>
    tpu.enqueue_indirect_dma source(%dma_start3A_6 : memref<50000xf32, #tpu.memory_space<hbm>>) target(%arg12 : memref<128xf32, #tpu.memory_space<vmem>>) offsets(%arg11 : memref<128xi32, #tpu.memory_space<vmem>>) semaphore(%arg19 : memref<!tpu.dma_semaphore, #tpu.memory_space<semaphore_mem>>)
    %add3A_7 = arith.constant 0 : i32
    %add3A_8 = arith.addi %add3A, %add3A_7 : i32
    %rem3A = arith.constant 5 : i32
    %rem3A_9 = arith.remsi %add3A_8, %rem3A : i32
    %mul3A_10 = arith.constant 10000 : i32
    %mul3A_11 = arith.muli %rem3A_9, %mul3A_10 : i32
    %dma_start3A_12 = tpu.memref_slice %arg9[%mul3A_11] : memref<50000xf32, #tpu.memory_space<vmem>> -> memref<10000xf32, #tpu.memory_space<vmem>>
    %dma_start3A_13 = tpu.memref_slice %arg2[%mul3A_11] : memref<50000xf32, #tpu.memory_space<hbm>> -> memref<10000xf32, #tpu.memory_space<hbm>>
    %dma_start3A_14 = tpu.memref_slice %arg9[%mul3A_11] : memref<50000xf32, #tpu.memory_space<vmem>> -> memref<10000xf32, #tpu.memory_space<vmem>>
    %dma_start3A_15 = tpu.memref_slice %arg2[%mul3A_11] : memref<50000xf32, #tpu.memory_space<hbm>> -> memref<10000xf32, #tpu.memory_space<hbm>>
    tpu.enqueue_dma source(%dma_start3A_15 : memref<10000xf32, #tpu.memory_space<hbm>>) target(%dma_start3A_14 : memref<10000xf32, #tpu.memory_space<vmem>>) target_semaphore(%arg16 : memref<!tpu.dma_semaphore, #tpu.memory_space<semaphore_mem>>)
    %add3A_16 = arith.constant 1 : i32
    %add3A_17 = arith.addi %add3A, %add3A_16 : i32
    %rem3A_18 = arith.constant 5 : i32
    %rem3A_19 = arith.remsi %add3A_17, %rem3A_18 : i32
    %mul3A_20 = arith.constant 10000 : i32
    %mul3A_21 = arith.muli %rem3A_19, %mul3A_20 : i32
    %dma_start3A_22 = tpu.memref_slice %arg9[%mul3A_21] : memref<50000xf32, #tpu.memory_space<vmem>> -> memref<10000xf32, #tpu.memory_space<vmem>>
    %dma_start3A_23 = tpu.memref_slice %arg2[%mul3A_21] : memref<50000xf32, #tpu.memory_space<hbm>> -> memref<10000xf32, #tpu.memory_space<hbm>>
    %dma_start3A_24 = tpu.memref_slice %arg9[%mul3A_21] : memref<50000xf32, #tpu.memory_space<vmem>> -> memref<10000xf32, #tpu.memory_space<vmem>>
    %dma_start3A_25 = tpu.memref_slice %arg2[%mul3A_21] : memref<50000xf32, #tpu.memory_space<hbm>> -> memref<10000xf32, #tpu.memory_space<hbm>>
    tpu.enqueue_dma source(%dma_start3A_25 : memref<10000xf32, #tpu.memory_space<hbm>>) target(%dma_start3A_24 : memref<10000xf32, #tpu.memory_space<vmem>>) target_semaphore(%arg16 : memref<!tpu.dma_semaphore, #tpu.memory_space<semaphore_mem>>)
    %add3A_26 = arith.constant 2 : i32
    %add3A_27 = arith.addi %add3A, %add3A_26 : i32
    %rem3A_28 = arith.constant 5 : i32
    %rem3A_29 = arith.remsi %add3A_27, %rem3A_28 : i32
    %mul3A_30 = arith.constant 10000 : i32
    %mul3A_31 = arith.muli %rem3A_29, %mul3A_30 : i32
    %dma_start3A_32 = tpu.memref_slice %arg9[%mul3A_31] : memref<50000xf32, #tpu.memory_space<vmem>> -> memref<10000xf32, #tpu.memory_space<vmem>>
    %dma_start3A_33 = tpu.memref_slice %arg2[%mul3A_31] : memref<50000xf32, #tpu.memory_space<hbm>> -> memref<10000xf32, #tpu.memory_space<hbm>>
    %dma_start3A_34 = tpu.memref_slice %arg9[%mul3A_31] : memref<50000xf32, #tpu.memory_space<vmem>> -> memref<10000xf32, #tpu.memory_space<vmem>>
    %dma_start3A_35 = tpu.memref_slice %arg2[%mul3A_31] : memref<50000xf32, #tpu.memory_space<hbm>> -> memref<10000xf32, #tpu.memory_space<hbm>>
    tpu.enqueue_dma source(%dma_start3A_35 : memref<10000xf32, #tpu.memory_space<hbm>>) target(%dma_start3A_34 : memref<10000xf32, #tpu.memory_space<vmem>>) target_semaphore(%arg16 : memref<!tpu.dma_semaphore, #tpu.memory_space<semaphore_mem>>)
    %add3A_36 = arith.constant 3 : i32
    %add3A_37 = arith.addi %add3A, %add3A_36 : i32
    %rem3A_38 = arith.constant 5 : i32
    %rem3A_39 = arith.remsi %add3A_37, %rem3A_38 : i32
    %mul3A_40 = arith.constant 10000 : i32
    %mul3A_41 = arith.muli %rem3A_39, %mul3A_40 : i32
    %dma_start3A_42 = tpu.memref_slice %arg9[%mul3A_41] : memref<50000xf32, #tpu.memory_space<vmem>> -> memref<10000xf32, #tpu.memory_space<vmem>>
    %dma_start3A_43 = tpu.memref_slice %arg2[%mul3A_41] : memref<50000xf32, #tpu.memory_space<hbm>> -> memref<10000xf32, #tpu.memory_space<hbm>>
    %dma_start3A_44 = tpu.memref_slice %arg9[%mul3A_41] : memref<50000xf32, #tpu.memory_space<vmem>> -> memref<10000xf32, #tpu.memory_space<vmem>>
    %dma_start3A_45 = tpu.memref_slice %arg2[%mul3A_41] : memref<50000xf32, #tpu.memory_space<hbm>> -> memref<10000xf32, #tpu.memory_space<hbm>>
    tpu.enqueue_dma source(%dma_start3A_45 : memref<10000xf32, #tpu.memory_space<hbm>>) target(%dma_start3A_44 : memref<10000xf32, #tpu.memory_space<vmem>>) target_semaphore(%arg16 : memref<!tpu.dma_semaphore, #tpu.memory_space<semaphore_mem>>)
    %add3A_46 = arith.constant 4 : i32
    %add3A_47 = arith.addi %add3A, %add3A_46 : i32
    %rem3A_48 = arith.constant 5 : i32
    %rem3A_49 = arith.remsi %add3A_47, %rem3A_48 : i32
    %mul3A_50 = arith.constant 10000 : i32
    %mul3A_51 = arith.muli %rem3A_49, %mul3A_50 : i32
    %dma_start3A_52 = tpu.memref_slice %arg9[%mul3A_51] : memref<50000xf32, #tpu.memory_space<vmem>> -> memref<10000xf32, #tpu.memory_space<vmem>>
    %dma_start3A_53 = tpu.memref_slice %arg2[%mul3A_51] : memref<50000xf32, #tpu.memory_space<hbm>> -> memref<10000xf32, #tpu.memory_space<hbm>>
    %dma_start3A_54 = tpu.memref_slice %arg9[%mul3A_51] : memref<50000xf32, #tpu.memory_space<vmem>> -> memref<10000xf32, #tpu.memory_space<vmem>>
    %dma_start3A_55 = tpu.memref_slice %arg2[%mul3A_51] : memref<50000xf32, #tpu.memory_space<hbm>> -> memref<10000xf32, #tpu.memory_space<hbm>>
    tpu.enqueue_dma source(%dma_start3A_55 : memref<10000xf32, #tpu.memory_space<hbm>>) target(%dma_start3A_54 : memref<10000xf32, #tpu.memory_space<vmem>>) target_semaphore(%arg16 : memref<!tpu.dma_semaphore, #tpu.memory_space<semaphore_mem>>)
    %mul3A_56 = arith.constant 64 : i32
    %mul3A_57 = arith.muli %mul3A_2, %mul3A_56 : i32
    %dma_start3A_58 = tpu.memref_slice %arg5[%mul3A_57] : memref<262144xi32, #tpu.memory_space<hbm>> -> memref<8192xi32, #tpu.memory_space<hbm>>
    %dma_start3A_59 = tpu.memref_slice %arg5[%mul3A_57] : memref<262144xi32, #tpu.memory_space<hbm>> -> memref<8192xi32, #tpu.memory_space<hbm>>
    tpu.enqueue_dma source(%dma_start3A_59 : memref<8192xi32, #tpu.memory_space<hbm>>) target(%arg10 : memref<8192xi32, #tpu.memory_space<vmem>>) target_semaphore(%arg17 : memref<!tpu.dma_semaphore, #tpu.memory_space<semaphore_mem>>)
    %eq3A = arith.constant 0 : i32
    %eq3A_60 = arith.cmpi eq, %add3A, %eq3A : i32
    %convert_element_type3A = arith.extui %eq3A_60 : i1 to i32
    %cond3A = arith.constant 0 : i32
    %cond3A_61 = arith.cmpi ne, %convert_element_type3A, %cond3A : i32
    scf.if %cond3A_61 {
      "tpu.region"() ({
        %run_scoped3A = tpu.sem_alloc : memref<!tpu.dma_semaphore, #tpu.memory_space<semaphore_mem>>
        tpu.enqueue_dma source(%arg6 : memref<4096xi32, #tpu.memory_space<hbm>>) target(%arg14 : memref<4096xi32, #tpu.memory_space<vmem>>) target_semaphore(%run_scoped3A : memref<!tpu.dma_semaphore, #tpu.memory_space<semaphore_mem>>)
        tpu.wait_dma2 semaphore(%run_scoped3A : memref<!tpu.dma_semaphore, #tpu.memory_space<semaphore_mem>>) src(%arg6 : memref<4096xi32, #tpu.memory_space<hbm>>) dst(%arg14 : memref<4096xi32, #tpu.memory_space<vmem>>)
        tpu.yield
      }) : () -> ()
      %scan3A_103 = arith.constant 0 : i32
      %scan3A_104 = arith.constant 0 : i32
      %scan3A_105 = arith.constant 4 : i32
      %scan3A_106 = arith.addi %scan3A_104, %scan3A_105 : i32
      %scan3A_107 = arith.constant 1 : i32
      %scan3A_108 = scf.for %scan3A_110 = %scan3A_104 to %scan3A_106 step %scan3A_107 iter_args(%scan3A_111 = %scan3A_103) -> (i32)  : i32 {
        %mul3A_112 = arith.constant 8 : i32
        %mul3A_113 = arith.muli %scan3A_110, %mul3A_112 : i32
        %add3A_114 = arith.constant 0 : i32
        %add3A_115 = arith.addi %mul3A_113, %add3A_114 : i32
        %mul3A_116 = arith.constant 128 : i32
        %mul3A_117 = arith.muli %add3A_115, %mul3A_116 : i32
        %dma_start3A_118 = tpu.memref_slice %arg15[%mul3A_117] : memref<4096xf32, #tpu.memory_space<vmem>> -> memref<128xf32, #tpu.memory_space<vmem>>
        %dma_start3A_119 = tpu.memref_slice %arg14[%mul3A_117] : memref<4096xi32, #tpu.memory_space<vmem>> -> memref<128xi32, #tpu.memory_space<vmem>>
        %dma_start3A_120 = arith.constant 0 : i32
        %dma_start3A_121 = tpu.memref_slice %arg4[%dma_start3A_120] : memref<50000xf32, #tpu.memory_space<hbm>> -> memref<50000xf32, #tpu.memory_space<hbm>>
        tpu.enqueue_indirect_dma source(%dma_start3A_121 : memref<50000xf32, #tpu.memory_space<hbm>>) target(%dma_start3A_118 : memref<128xf32, #tpu.memory_space<vmem>>) offsets(%dma_start3A_119 : memref<128xi32, #tpu.memory_space<vmem>>) semaphore(%arg20 : memref<!tpu.dma_semaphore, #tpu.memory_space<semaphore_mem>>)
        %mul3A_122 = arith.constant 8 : i32
        %mul3A_123 = arith.muli %scan3A_110, %mul3A_122 : i32
        %add3A_124 = arith.constant 1 : i32
        %add3A_125 = arith.addi %mul3A_123, %add3A_124 : i32
        %mul3A_126 = arith.constant 128 : i32
        %mul3A_127 = arith.muli %add3A_125, %mul3A_126 : i32
        %dma_start3A_128 = tpu.memref_slice %arg15[%mul3A_127] : memref<4096xf32, #tpu.memory_space<vmem>> -> memref<128xf32, #tpu.memory_space<vmem>>
        %dma_start3A_129 = tpu.memref_slice %arg14[%mul3A_127] : memref<4096xi32, #tpu.memory_space<vmem>> -> memref<128xi32, #tpu.memory_space<vmem>>
        %dma_start3A_130 = arith.constant 0 : i32
        %dma_start3A_131 = tpu.memref_slice %arg4[%dma_start3A_130] : memref<50000xf32, #tpu.memory_space<hbm>> -> memref<50000xf32, #tpu.memory_space<hbm>>
        tpu.enqueue_indirect_dma source(%dma_start3A_131 : memref<50000xf32, #tpu.memory_space<hbm>>) target(%dma_start3A_128 : memref<128xf32, #tpu.memory_space<vmem>>) offsets(%dma_start3A_129 : memref<128xi32, #tpu.memory_space<vmem>>) semaphore(%arg20 : memref<!tpu.dma_semaphore, #tpu.memory_space<semaphore_mem>>)
        %mul3A_132 = arith.constant 8 : i32
        %mul3A_133 = arith.muli %scan3A_110, %mul3A_132 : i32
        %add3A_134 = arith.constant 2 : i32
        %add3A_135 = arith.addi %mul3A_133, %add3A_134 : i32
        %mul3A_136 = arith.constant 128 : i32
        %mul3A_137 = arith.muli %add3A_135, %mul3A_136 : i32
        %dma_start3A_138 = tpu.memref_slice %arg15[%mul3A_137] : memref<4096xf32, #tpu.memory_space<vmem>> -> memref<128xf32, #tpu.memory_space<vmem>>
        %dma_start3A_139 = tpu.memref_slice %arg14[%mul3A_137] : memref<4096xi32, #tpu.memory_space<vmem>> -> memref<128xi32, #tpu.memory_space<vmem>>
        %dma_start3A_140 = arith.constant 0 : i32
        %dma_start3A_141 = tpu.memref_slice %arg4[%dma_start3A_140] : memref<50000xf32, #tpu.memory_space<hbm>> -> memref<50000xf32, #tpu.memory_space<hbm>>
        tpu.enqueue_indirect_dma source(%dma_start3A_141 : memref<50000xf32, #tpu.memory_space<hbm>>) target(%dma_start3A_138 : memref<128xf32, #tpu.memory_space<vmem>>) offsets(%dma_start3A_139 : memref<128xi32, #tpu.memory_space<vmem>>) semaphore(%arg20 : memref<!tpu.dma_semaphore, #tpu.memory_space<semaphore_mem>>)
        %mul3A_142 = arith.constant 8 : i32
        %mul3A_143 = arith.muli %scan3A_110, %mul3A_142 : i32
        %add3A_144 = arith.constant 3 : i32
        %add3A_145 = arith.addi %mul3A_143, %add3A_144 : i32
        %mul3A_146 = arith.constant 128 : i32
        %mul3A_147 = arith.muli %add3A_145, %mul3A_146 : i32
        %dma_start3A_148 = tpu.memref_slice %arg15[%mul3A_147] : memref<4096xf32, #tpu.memory_space<vmem>> -> memref<128xf32, #tpu.memory_space<vmem>>
        %dma_start3A_149 = tpu.memref_slice %arg14[%mul3A_147] : memref<4096xi32, #tpu.memory_space<vmem>> -> memref<128xi32, #tpu.memory_space<vmem>>
        %dma_start3A_150 = arith.constant 0 : i32
        %dma_start3A_151 = tpu.memref_slice %arg4[%dma_start3A_150] : memref<50000xf32, #tpu.memory_space<hbm>> -> memref<50000xf32, #tpu.memory_space<hbm>>
        tpu.enqueue_indirect_dma source(%dma_start3A_151 : memref<50000xf32, #tpu.memory_space<hbm>>) target(%dma_start3A_148 : memref<128xf32, #tpu.memory_space<vmem>>) offsets(%dma_start3A_149 : memref<128xi32, #tpu.memory_space<vmem>>) semaphore(%arg20 : memref<!tpu.dma_semaphore, #tpu.memory_space<semaphore_mem>>)
        %mul3A_152 = arith.constant 8 : i32
        %mul3A_153 = arith.muli %scan3A_110, %mul3A_152 : i32
        %add3A_154 = arith.constant 4 : i32
        %add3A_155 = arith.addi %mul3A_153, %add3A_154 : i32
        %mul3A_156 = arith.constant 128 : i32
        %mul3A_157 = arith.muli %add3A_155, %mul3A_156 : i32
        %dma_start3A_158 = tpu.memref_slice %arg15[%mul3A_157] : memref<4096xf32, #tpu.memory_space<vmem>> -> memref<128xf32, #tpu.memory_space<vmem>>
        %dma_start3A_159 = tpu.memref_slice %arg14[%mul3A_157] : memref<4096xi32, #tpu.memory_space<vmem>> -> memref<128xi32, #tpu.memory_space<vmem>>
        %dma_start3A_160 = arith.constant 0 : i32
        %dma_start3A_161 = tpu.memref_slice %arg4[%dma_start3A_160] : memref<50000xf32, #tpu.memory_space<hbm>> -> memref<50000xf32, #tpu.memory_space<hbm>>
        tpu.enqueue_indirect_dma source(%dma_start3A_161 : memref<50000xf32, #tpu.memory_space<hbm>>) target(%dma_start3A_158 : memref<128xf32, #tpu.memory_space<vmem>>) offsets(%dma_start3A_159 : memref<128xi32, #tpu.memory_space<vmem>>) semaphore(%arg20 : memref<!tpu.dma_semaphore, #tpu.memory_space<semaphore_mem>>)
        %mul3A_162 = arith.constant 8 : i32
        %mul3A_163 = arith.muli %scan3A_110, %mul3A_162 : i32
        %add3A_164 = arith.constant 5 : i32
        %add3A_165 = arith.addi %mul3A_163, %add3A_164 : i32
        %mul3A_166 = arith.constant 128 : i32
        %mul3A_167 = arith.muli %add3A_165, %mul3A_166 : i32
        %dma_start3A_168 = tpu.memref_slice %arg15[%mul3A_167] : memref<4096xf32, #tpu.memory_space<vmem>> -> memref<128xf32, #tpu.memory_space<vmem>>
        %dma_start3A_169 = tpu.memref_slice %arg14[%mul3A_167] : memref<4096xi32, #tpu.memory_space<vmem>> -> memref<128xi32, #tpu.memory_space<vmem>>
        %dma_start3A_170 = arith.constant 0 : i32
        %dma_start3A_171 = tpu.memref_slice %arg4[%dma_start3A_170] : memref<50000xf32, #tpu.memory_space<hbm>> -> memref<50000xf32, #tpu.memory_space<hbm>>
        tpu.enqueue_indirect_dma source(%dma_start3A_171 : memref<50000xf32, #tpu.memory_space<hbm>>) target(%dma_start3A_168 : memref<128xf32, #tpu.memory_space<vmem>>) offsets(%dma_start3A_169 : memref<128xi32, #tpu.memory_space<vmem>>) semaphore(%arg20 : memref<!tpu.dma_semaphore, #tpu.memory_space<semaphore_mem>>)
        %mul3A_172 = arith.constant 8 : i32
        %mul3A_173 = arith.muli %scan3A_110, %mul3A_172 : i32
        %add3A_174 = arith.constant 6 : i32
        %add3A_175 = arith.addi %mul3A_173, %add3A_174 : i32
        %mul3A_176 = arith.constant 128 : i32
        %mul3A_177 = arith.muli %add3A_175, %mul3A_176 : i32
        %dma_start3A_178 = tpu.memref_slice %arg15[%mul3A_177] : memref<4096xf32, #tpu.memory_space<vmem>> -> memref<128xf32, #tpu.memory_space<vmem>>
        %dma_start3A_179 = tpu.memref_slice %arg14[%mul3A_177] : memref<4096xi32, #tpu.memory_space<vmem>> -> memref<128xi32, #tpu.memory_space<vmem>>
        %dma_start3A_180 = arith.constant 0 : i32
        %dma_start3A_181 = tpu.memref_slice %arg4[%dma_start3A_180] : memref<50000xf32, #tpu.memory_space<hbm>> -> memref<50000xf32, #tpu.memory_space<hbm>>
        tpu.enqueue_indirect_dma source(%dma_start3A_181 : memref<50000xf32, #tpu.memory_space<hbm>>) target(%dma_start3A_178 : memref<128xf32, #tpu.memory_space<vmem>>) offsets(%dma_start3A_179 : memref<128xi32, #tpu.memory_space<vmem>>) semaphore(%arg20 : memref<!tpu.dma_semaphore, #tpu.memory_space<semaphore_mem>>)
        %mul3A_182 = arith.constant 8 : i32
        %mul3A_183 = arith.muli %scan3A_110, %mul3A_182 : i32
        %add3A_184 = arith.constant 7 : i32
        %add3A_185 = arith.addi %mul3A_183, %add3A_184 : i32
        %mul3A_186 = arith.constant 128 : i32
        %mul3A_187 = arith.muli %add3A_185, %mul3A_186 : i32
        %dma_start3A_188 = tpu.memref_slice %arg15[%mul3A_187] : memref<4096xf32, #tpu.memory_space<vmem>> -> memref<128xf32, #tpu.memory_space<vmem>>
        %dma_start3A_189 = tpu.memref_slice %arg14[%mul3A_187] : memref<4096xi32, #tpu.memory_space<vmem>> -> memref<128xi32, #tpu.memory_space<vmem>>
        %dma_start3A_190 = arith.constant 0 : i32
        %dma_start3A_191 = tpu.memref_slice %arg4[%dma_start3A_190] : memref<50000xf32, #tpu.memory_space<hbm>> -> memref<50000xf32, #tpu.memory_space<hbm>>
        tpu.enqueue_indirect_dma source(%dma_start3A_191 : memref<50000xf32, #tpu.memory_space<hbm>>) target(%dma_start3A_188 : memref<128xf32, #tpu.memory_space<vmem>>) offsets(%dma_start3A_189 : memref<128xi32, #tpu.memory_space<vmem>>) semaphore(%arg20 : memref<!tpu.dma_semaphore, #tpu.memory_space<semaphore_mem>>)
        %scan3A_192 = arith.constant 0 : i32
        scf.yield %scan3A_192 : i32
      }
      %scan3A_109 = arith.constant 4 : i32
    } else {
    }
    "tpu.trace_start"() <{level = 10 : i32, message = "sc_stage_wait"}> : () -> ()
    %dma_wait3A_62 = tpu.memref_slice %arg9[%mul3A_11] : memref<50000xf32, #tpu.memory_space<vmem>> -> memref<10000xf32, #tpu.memory_space<vmem>>
    %dma_wait3A_63 = tpu.memref_slice %arg2[%mul3A_11] : memref<50000xf32, #tpu.memory_space<hbm>> -> memref<10000xf32, #tpu.memory_space<hbm>>
    %dma_wait3A_64 = tpu.memref_slice %arg9[%mul3A_11] : memref<50000xf32, #tpu.memory_space<vmem>> -> memref<10000xf32, #tpu.memory_space<vmem>>
    %dma_wait3A_65 = tpu.memref_slice %arg2[%mul3A_11] : memref<50000xf32, #tpu.memory_space<hbm>> -> memref<10000xf32, #tpu.memory_space<hbm>>
    tpu.wait_dma2 semaphore(%arg16 : memref<!tpu.dma_semaphore, #tpu.memory_space<semaphore_mem>>) src(%dma_wait3A_65 : memref<10000xf32, #tpu.memory_space<hbm>>) dst(%dma_wait3A_64 : memref<10000xf32, #tpu.memory_space<vmem>>)
    %dma_wait3A_66 = tpu.memref_slice %arg9[%mul3A_21] : memref<50000xf32, #tpu.memory_space<vmem>> -> memref<10000xf32, #tpu.memory_space<vmem>>
    %dma_wait3A_67 = tpu.memref_slice %arg2[%mul3A_21] : memref<50000xf32, #tpu.memory_space<hbm>> -> memref<10000xf32, #tpu.memory_space<hbm>>
    %dma_wait3A_68 = tpu.memref_slice %arg9[%mul3A_21] : memref<50000xf32, #tpu.memory_space<vmem>> -> memref<10000xf32, #tpu.memory_space<vmem>>
    %dma_wait3A_69 = tpu.memref_slice %arg2[%mul3A_21] : memref<50000xf32, #tpu.memory_space<hbm>> -> memref<10000xf32, #tpu.memory_space<hbm>>
    tpu.wait_dma2 semaphore(%arg16 : memref<!tpu.dma_semaphore, #tpu.memory_space<semaphore_mem>>) src(%dma_wait3A_69 : memref<10000xf32, #tpu.memory_space<hbm>>) dst(%dma_wait3A_68 : memref<10000xf32, #tpu.memory_space<vmem>>)
    %dma_wait3A_70 = tpu.memref_slice %arg9[%mul3A_31] : memref<50000xf32, #tpu.memory_space<vmem>> -> memref<10000xf32, #tpu.memory_space<vmem>>
    %dma_wait3A_71 = tpu.memref_slice %arg2[%mul3A_31] : memref<50000xf32, #tpu.memory_space<hbm>> -> memref<10000xf32, #tpu.memory_space<hbm>>
    %dma_wait3A_72 = tpu.memref_slice %arg9[%mul3A_31] : memref<50000xf32, #tpu.memory_space<vmem>> -> memref<10000xf32, #tpu.memory_space<vmem>>
    %dma_wait3A_73 = tpu.memref_slice %arg2[%mul3A_31] : memref<50000xf32, #tpu.memory_space<hbm>> -> memref<10000xf32, #tpu.memory_space<hbm>>
    tpu.wait_dma2 semaphore(%arg16 : memref<!tpu.dma_semaphore, #tpu.memory_space<semaphore_mem>>) src(%dma_wait3A_73 : memref<10000xf32, #tpu.memory_space<hbm>>) dst(%dma_wait3A_72 : memref<10000xf32, #tpu.memory_space<vmem>>)
    %dma_wait3A_74 = tpu.memref_slice %arg9[%mul3A_41] : memref<50000xf32, #tpu.memory_space<vmem>> -> memref<10000xf32, #tpu.memory_space<vmem>>
    %dma_wait3A_75 = tpu.memref_slice %arg2[%mul3A_41] : memref<50000xf32, #tpu.memory_space<hbm>> -> memref<10000xf32, #tpu.memory_space<hbm>>
    %dma_wait3A_76 = tpu.memref_slice %arg9[%mul3A_41] : memref<50000xf32, #tpu.memory_space<vmem>> -> memref<10000xf32, #tpu.memory_space<vmem>>
    %dma_wait3A_77 = tpu.memref_slice %arg2[%mul3A_41] : memref<50000xf32, #tpu.memory_space<hbm>> -> memref<10000xf32, #tpu.memory_space<hbm>>
    tpu.wait_dma2 semaphore(%arg16 : memref<!tpu.dma_semaphore, #tpu.memory_space<semaphore_mem>>) src(%dma_wait3A_77 : memref<10000xf32, #tpu.memory_space<hbm>>) dst(%dma_wait3A_76 : memref<10000xf32, #tpu.memory_space<vmem>>)
    %dma_wait3A_78 = tpu.memref_slice %arg9[%mul3A_51] : memref<50000xf32, #tpu.memory_space<vmem>> -> memref<10000xf32, #tpu.memory_space<vmem>>
    %dma_wait3A_79 = tpu.memref_slice %arg2[%mul3A_51] : memref<50000xf32, #tpu.memory_space<hbm>> -> memref<10000xf32, #tpu.memory_space<hbm>>
    %dma_wait3A_80 = tpu.memref_slice %arg9[%mul3A_51] : memref<50000xf32, #tpu.memory_space<vmem>> -> memref<10000xf32, #tpu.memory_space<vmem>>
    %dma_wait3A_81 = tpu.memref_slice %arg2[%mul3A_51] : memref<50000xf32, #tpu.memory_space<hbm>> -> memref<10000xf32, #tpu.memory_space<hbm>>
    tpu.wait_dma2 semaphore(%arg16 : memref<!tpu.dma_semaphore, #tpu.memory_space<semaphore_mem>>) src(%dma_wait3A_81 : memref<10000xf32, #tpu.memory_space<hbm>>) dst(%dma_wait3A_80 : memref<10000xf32, #tpu.memory_space<vmem>>)
    %dma_wait3A_82 = tpu.memref_slice %arg5[%mul3A_57] : memref<262144xi32, #tpu.memory_space<hbm>> -> memref<8192xi32, #tpu.memory_space<hbm>>
    %dma_wait3A_83 = tpu.memref_slice %arg5[%mul3A_57] : memref<262144xi32, #tpu.memory_space<hbm>> -> memref<8192xi32, #tpu.memory_space<hbm>>
    tpu.wait_dma2 semaphore(%arg17 : memref<!tpu.dma_semaphore, #tpu.memory_space<semaphore_mem>>) src(%dma_wait3A_83 : memref<8192xi32, #tpu.memory_space<hbm>>) dst(%arg10 : memref<8192xi32, #tpu.memory_space<vmem>>)
    %dma_wait3A_84 = arith.constant 0 : i32
    %dma_wait3A_85 = tpu.memref_slice %arg3[%dma_wait3A_84] : memref<50000xf32, #tpu.memory_space<hbm>> -> memref<50000xf32, #tpu.memory_space<hbm>>
    tpu.wait_indirect_dma semaphore(%arg19 : memref<!tpu.dma_semaphore, #tpu.memory_space<semaphore_mem>>) src(%dma_wait3A_85 : memref<50000xf32, #tpu.memory_space<hbm>>) dst(%arg12 : memref<128xf32, #tpu.memory_space<vmem>>)
    "tpu.trace_stop"() : () -> ()
    "tpu.trace_start"() <{level = 10 : i32, message = "sc_rows"}> : () -> ()
    %scan3A = arith.constant 0 : i32
    %scan3A_86 = arith.constant 0 : i32
    %scan3A_87 = arith.constant 32 : i32
    %scan3A_88 = arith.addi %scan3A_86, %scan3A_87 : i32
    %scan3A_89 = arith.constant 1 : i32
    %scan3A_90 = scf.for %scan3A_103 = %scan3A_86 to %scan3A_88 step %scan3A_89 iter_args(%scan3A_104 = %scan3A) -> (i32)  : i32 {
      %mul3A_105 = arith.constant 4 : i32
      %mul3A_106 = arith.muli %scan3A_103, %mul3A_105 : i32
      %add3A_107 = arith.constant 0 : i32
      %add3A_108 = arith.addi %mul3A_106, %add3A_107 : i32
      %broadcast_in_dim3A = vector.broadcast %add3A_108 : i32 to vector<16xi32>
      %gather3A = tpu.vector_load_idx %arg12[%broadcast_in_dim3A] : memref<128xf32, #tpu.memory_space<vmem>>[vector<16xi32>], vector<16xf32>,
      %mul3A_109 = arith.constant 64 : i32
      %mul3A_110 = arith.muli %add3A_108, %mul3A_109 : i32
      %add3A_111 = arith.constant 0 : i32
      %add3A_112 = arith.addi %mul3A_110, %add3A_111 : i32
      %get3A = arith.index_cast %add3A_112 : i32 to index
      %get3A_113 = tpu.vector_load %arg10[%get3A] {strides = array<i32>} : memref<8192xi32, #tpu.memory_space<vmem>>, vector<16xi32>,
      %gather3A_114 = tpu.vector_load_idx %arg9[%get3A_113] : memref<50000xf32, #tpu.memory_space<vmem>>[vector<16xi32>], vector<16xf32>,
      %add3A_115 = arith.addf %gather3A_114, %gather3A : vector<16xf32>
      %ge3A = arith.constant 0.000000e+00 : f32
      %ge3A_116 = vector.broadcast %ge3A : f32 to vector<16xf32>
      %ge3A_117 = arith.cmpf oge, %add3A_115, %ge3A_116 : vector<16xf32>
      %mul3A_118 = arith.constant 0.00999999977 : f32
      %mul3A_119 = vector.broadcast %mul3A_118 : f32 to vector<16xf32>
      %mul3A_120 = arith.mulf %mul3A_119, %add3A_115 : vector<16xf32>
      %select_n3A = arith.select %ge3A_117, %add3A_115, %mul3A_120 : vector<16xi1>, vector<16xf32>
      %add3A_121 = arith.constant 16 : i32
      %add3A_122 = arith.addi %mul3A_110, %add3A_121 : i32
      %get3A_123 = arith.index_cast %add3A_122 : i32 to index
      %get3A_124 = tpu.vector_load %arg10[%get3A_123] {strides = array<i32>} : memref<8192xi32, #tpu.memory_space<vmem>>, vector<16xi32>,
      %gather3A_125 = tpu.vector_load_idx %arg9[%get3A_124] : memref<50000xf32, #tpu.memory_space<vmem>>[vector<16xi32>], vector<16xf32>,
      %add3A_126 = arith.addf %gather3A_125, %gather3A : vector<16xf32>
      %ge3A_127 = arith.constant 0.000000e+00 : f32
      %ge3A_128 = vector.broadcast %ge3A_127 : f32 to vector<16xf32>
      %ge3A_129 = arith.cmpf oge, %add3A_126, %ge3A_128 : vector<16xf32>
      %mul3A_130 = arith.constant 0.00999999977 : f32
      %mul3A_131 = vector.broadcast %mul3A_130 : f32 to vector<16xf32>
      %mul3A_132 = arith.mulf %mul3A_131, %add3A_126 : vector<16xf32>
      %select_n3A_133 = arith.select %ge3A_129, %add3A_126, %mul3A_132 : vector<16xi1>, vector<16xf32>
      %add3A_134 = arith.constant 32 : i32
      %add3A_135 = arith.addi %mul3A_110, %add3A_134 : i32
      %get3A_136 = arith.index_cast %add3A_135 : i32 to index
      %get3A_137 = tpu.vector_load %arg10[%get3A_136] {strides = array<i32>} : memref<8192xi32, #tpu.memory_space<vmem>>, vector<16xi32>,
      %gather3A_138 = tpu.vector_load_idx %arg9[%get3A_137] : memref<50000xf32, #tpu.memory_space<vmem>>[vector<16xi32>], vector<16xf32>,
      %add3A_139 = arith.addf %gather3A_138, %gather3A : vector<16xf32>
      %ge3A_140 = arith.constant 0.000000e+00 : f32
      %ge3A_141 = vector.broadcast %ge3A_140 : f32 to vector<16xf32>
      %ge3A_142 = arith.cmpf oge, %add3A_139, %ge3A_141 : vector<16xf32>
      %mul3A_143 = arith.constant 0.00999999977 : f32
      %mul3A_144 = vector.broadcast %mul3A_143 : f32 to vector<16xf32>
      %mul3A_145 = arith.mulf %mul3A_144, %add3A_139 : vector<16xf32>
      %select_n3A_146 = arith.select %ge3A_142, %add3A_139, %mul3A_145 : vector<16xi1>, vector<16xf32>
      %add3A_147 = arith.constant 48 : i32
      %add3A_148 = arith.addi %mul3A_110, %add3A_147 : i32
      %get3A_149 = arith.index_cast %add3A_148 : i32 to index
      %get3A_150 = tpu.vector_load %arg10[%get3A_149] {strides = array<i32>} : memref<8192xi32, #tpu.memory_space<vmem>>, vector<16xi32>,
      %gather3A_151 = tpu.vector_load_idx %arg9[%get3A_150] : memref<50000xf32, #tpu.memory_space<vmem>>[vector<16xi32>], vector<16xf32>,
      %add3A_152 = arith.addf %gather3A_151, %gather3A : vector<16xf32>
      %ge3A_153 = arith.constant 0.000000e+00 : f32
      %ge3A_154 = vector.broadcast %ge3A_153 : f32 to vector<16xf32>
      %ge3A_155 = arith.cmpf oge, %add3A_152, %ge3A_154 : vector<16xf32>
      %mul3A_156 = arith.constant 0.00999999977 : f32
      %mul3A_157 = vector.broadcast %mul3A_156 : f32 to vector<16xf32>
      %mul3A_158 = arith.mulf %mul3A_157, %add3A_152 : vector<16xf32>
      %select_n3A_159 = arith.select %ge3A_155, %add3A_152, %mul3A_158 : vector<16xi1>, vector<16xf32>
      %max3A = arith.maximumf %select_n3A, %select_n3A_133 : vector<16xf32>
      %max3A_160 = arith.maximumf %max3A, %select_n3A_146 : vector<16xf32>
      %max3A_161 = arith.maximumf %max3A_160, %select_n3A_159 : vector<16xf32>
      %reduce_max3A = arith.constant true
      %reduce_max3A_162 = vector.broadcast %reduce_max3A : i1 to vector<16xi1>
      %reduce_max3A_163 = tpu.scan <max>, %max3A_161 masked %reduce_max3A_162 : vector<16xf32>, vector<16xi1> -> vector<16xf32>
      %reduce_max3A_164 = vector.extract %reduce_max3A_163[15] : f32 from vector<16xf32>
      %sub3A = vector.broadcast %reduce_max3A_164 : f32 to vector<16xf32>
      %sub3A_165 = arith.subf %select_n3A, %sub3A : vector<16xf32>
      %exp3A = math.exp %sub3A_165 : vector<16xf32>
      %sub3A_166 = vector.broadcast %reduce_max3A_164 : f32 to vector<16xf32>
      %sub3A_167 = arith.subf %select_n3A_133, %sub3A_166 : vector<16xf32>
      %exp3A_168 = math.exp %sub3A_167 : vector<16xf32>
      %sub3A_169 = vector.broadcast %reduce_max3A_164 : f32 to vector<16xf32>
      %sub3A_170 = arith.subf %select_n3A_146, %sub3A_169 : vector<16xf32>
      %exp3A_171 = math.exp %sub3A_170 : vector<16xf32>
      %sub3A_172 = vector.broadcast %reduce_max3A_164 : f32 to vector<16xf32>
      %sub3A_173 = arith.subf %select_n3A_159, %sub3A_172 : vector<16xf32>
      %exp3A_174 = math.exp %sub3A_173 : vector<16xf32>
      %add3A_175 = arith.addf %exp3A, %exp3A_168 : vector<16xf32>
      %add3A_176 = arith.addf %add3A_175, %exp3A_171 : vector<16xf32>
      %add3A_177 = arith.addf %add3A_176, %exp3A_174 : vector<16xf32>
      %reduce_sum3A = arith.constant true
      %reduce_sum3A_178 = vector.broadcast %reduce_sum3A : i1 to vector<16xi1>
      %reduce_sum3A_179 = tpu.scan <sum>, %add3A_177 masked %reduce_sum3A_178 : vector<16xf32>, vector<16xi1> -> vector<16xf32>
      %reduce_sum3A_180 = vector.extract %reduce_sum3A_179[15] : f32 from vector<16xf32>
      %div3A = vector.broadcast %reduce_sum3A_180 : f32 to vector<16xf32>
      %div3A_181 = arith.divf %exp3A, %div3A : vector<16xf32>
      %add3A_182 = arith.constant 0 : i32
      %add3A_183 = arith.addi %mul3A_110, %add3A_182 : i32
      %swap3A = arith.index_cast %add3A_183 : i32 to index
      %swap3A_184 = tpu.vector_load %arg13[%swap3A] {strides = array<i32>} : memref<8192xf32, #tpu.memory_space<vmem>>, vector<16xf32>,
      tpu.vector_store %arg13[%swap3A], %div3A_181 {strides = array<i32>} : memref<8192xf32, #tpu.memory_space<vmem>>, vector<16xf32>,
      %div3A_185 = vector.broadcast %reduce_sum3A_180 : f32 to vector<16xf32>
      %div3A_186 = arith.divf %exp3A_168, %div3A_185 : vector<16xf32>
      %add3A_187 = arith.constant 16 : i32
      %add3A_188 = arith.addi %mul3A_110, %add3A_187 : i32
      %swap3A_189 = arith.index_cast %add3A_188 : i32 to index
      %swap3A_190 = tpu.vector_load %arg13[%swap3A_189] {strides = array<i32>} : memref<8192xf32, #tpu.memory_space<vmem>>, vector<16xf32>,
      tpu.vector_store %arg13[%swap3A_189], %div3A_186 {strides = array<i32>} : memref<8192xf32, #tpu.memory_space<vmem>>, vector<16xf32>,
      %div3A_191 = vector.broadcast %reduce_sum3A_180 : f32 to vector<16xf32>
      %div3A_192 = arith.divf %exp3A_171, %div3A_191 : vector<16xf32>
      %add3A_193 = arith.constant 32 : i32
      %add3A_194 = arith.addi %mul3A_110, %add3A_193 : i32
      %swap3A_195 = arith.index_cast %add3A_194 : i32 to index
      %swap3A_196 = tpu.vector_load %arg13[%swap3A_195] {strides = array<i32>} : memref<8192xf32, #tpu.memory_space<vmem>>, vector<16xf32>,
      tpu.vector_store %arg13[%swap3A_195], %div3A_192 {strides = array<i32>} : memref<8192xf32, #tpu.memory_space<vmem>>, vector<16xf32>,
      %div3A_197 = vector.broadcast %reduce_sum3A_180 : f32 to vector<16xf32>
      %div3A_198 = arith.divf %exp3A_174, %div3A_197 : vector<16xf32>
      %add3A_199 = arith.constant 48 : i32
      %add3A_200 = arith.addi %mul3A_110, %add3A_199 : i32
      %swap3A_201 = arith.index_cast %add3A_200 : i32 to index
      %swap3A_202 = tpu.vector_load %arg13[%swap3A_201] {strides = array<i32>} : memref<8192xf32, #tpu.memory_space<vmem>>, vector<16xf32>,
      tpu.vector_store %arg13[%swap3A_201], %div3A_198 {strides = array<i32>} : memref<8192xf32, #tpu.memory_space<vmem>>, vector<16xf32>,
      %mul3A_203 = arith.constant 4 : i32
      %mul3A_204 = arith.muli %scan3A_103, %mul3A_203 : i32
      %add3A_205 = arith.constant 1 : i32
      %add3A_206 = arith.addi %mul3A_204, %add3A_205 : i32
      %broadcast_in_dim3A_207 = vector.broadcast %add3A_206 : i32 to vector<16xi32>
      %gather3A_208 = tpu.vector_load_idx %arg12[%broadcast_in_dim3A_207] : memref<128xf32, #tpu.memory_space<vmem>>[vector<16xi32>], vector<16xf32>,
      %mul3A_209 = arith.constant 64 : i32
      %mul3A_210 = arith.muli %add3A_206, %mul3A_209 : i32
      %add3A_211 = arith.constant 0 : i32
      %add3A_212 = arith.addi %mul3A_210, %add3A_211 : i32
      %get3A_213 = arith.index_cast %add3A_212 : i32 to index
      %get3A_214 = tpu.vector_load %arg10[%get3A_213] {strides = array<i32>} : memref<8192xi32, #tpu.memory_space<vmem>>, vector<16xi32>,
      %gather3A_215 = tpu.vector_load_idx %arg9[%get3A_214] : memref<50000xf32, #tpu.memory_space<vmem>>[vector<16xi32>], vector<16xf32>,
      %add3A_216 = arith.addf %gather3A_215, %gather3A_208 : vector<16xf32>
      %ge3A_217 = arith.constant 0.000000e+00 : f32
      %ge3A_218 = vector.broadcast %ge3A_217 : f32 to vector<16xf32>
      %ge3A_219 = arith.cmpf oge, %add3A_216, %ge3A_218 : vector<16xf32>
      %mul3A_220 = arith.constant 0.00999999977 : f32
      %mul3A_221 = vector.broadcast %mul3A_220 : f32 to vector<16xf32>
      %mul3A_222 = arith.mulf %mul3A_221, %add3A_216 : vector<16xf32>
      %select_n3A_223 = arith.select %ge3A_219, %add3A_216, %mul3A_222 : vector<16xi1>, vector<16xf32>
      %add3A_224 = arith.constant 16 : i32
      %add3A_225 = arith.addi %mul3A_210, %add3A_224 : i32
      %get3A_226 = arith.index_cast %add3A_225 : i32 to index
      %get3A_227 = tpu.vector_load %arg10[%get3A_226] {strides = array<i32>} : memref<8192xi32, #tpu.memory_space<vmem>>, vector<16xi32>,
      %gather3A_228 = tpu.vector_load_idx %arg9[%get3A_227] : memref<50000xf32, #tpu.memory_space<vmem>>[vector<16xi32>], vector<16xf32>,
      %add3A_229 = arith.addf %gather3A_228, %gather3A_208 : vector<16xf32>
      %ge3A_230 = arith.constant 0.000000e+00 : f32
      %ge3A_231 = vector.broadcast %ge3A_230 : f32 to vector<16xf32>
      %ge3A_232 = arith.cmpf oge, %add3A_229, %ge3A_231 : vector<16xf32>
      %mul3A_233 = arith.constant 0.00999999977 : f32
      %mul3A_234 = vector.broadcast %mul3A_233 : f32 to vector<16xf32>
      %mul3A_235 = arith.mulf %mul3A_234, %add3A_229 : vector<16xf32>
      %select_n3A_236 = arith.select %ge3A_232, %add3A_229, %mul3A_235 : vector<16xi1>, vector<16xf32>
      %add3A_237 = arith.constant 32 : i32
      %add3A_238 = arith.addi %mul3A_210, %add3A_237 : i32
      %get3A_239 = arith.index_cast %add3A_238 : i32 to index
      %get3A_240 = tpu.vector_load %arg10[%get3A_239] {strides = array<i32>} : memref<8192xi32, #tpu.memory_space<vmem>>, vector<16xi32>,
      %gather3A_241 = tpu.vector_load_idx %arg9[%get3A_240] : memref<50000xf32, #tpu.memory_space<vmem>>[vector<16xi32>], vector<16xf32>,
      %add3A_242 = arith.addf %gather3A_241, %gather3A_208 : vector<16xf32>
      %ge3A_243 = arith.constant 0.000000e+00 : f32
      %ge3A_244 = vector.broadcast %ge3A_243 : f32 to vector<16xf32>
      %ge3A_245 = arith.cmpf oge, %add3A_242, %ge3A_244 : vector<16xf32>
      %mul3A_246 = arith.constant 0.00999999977 : f32
      %mul3A_247 = vector.broadcast %mul3A_246 : f32 to vector<16xf32>
      %mul3A_248 = arith.mulf %mul3A_247, %add3A_242 : vector<16xf32>
      %select_n3A_249 = arith.select %ge3A_245, %add3A_242, %mul3A_248 : vector<16xi1>, vector<16xf32>
      %add3A_250 = arith.constant 48 : i32
      %add3A_251 = arith.addi %mul3A_210, %add3A_250 : i32
      %get3A_252 = arith.index_cast %add3A_251 : i32 to index
      %get3A_253 = tpu.vector_load %arg10[%get3A_252] {strides = array<i32>} : memref<8192xi32, #tpu.memory_space<vmem>>, vector<16xi32>,
      %gather3A_254 = tpu.vector_load_idx %arg9[%get3A_253] : memref<50000xf32, #tpu.memory_space<vmem>>[vector<16xi32>], vector<16xf32>,
      %add3A_255 = arith.addf %gather3A_254, %gather3A_208 : vector<16xf32>
      %ge3A_256 = arith.constant 0.000000e+00 : f32
      %ge3A_257 = vector.broadcast %ge3A_256 : f32 to vector<16xf32>
      %ge3A_258 = arith.cmpf oge, %add3A_255, %ge3A_257 : vector<16xf32>
      %mul3A_259 = arith.constant 0.00999999977 : f32
      %mul3A_260 = vector.broadcast %mul3A_259 : f32 to vector<16xf32>
      %mul3A_261 = arith.mulf %mul3A_260, %add3A_255 : vector<16xf32>
      %select_n3A_262 = arith.select %ge3A_258, %add3A_255, %mul3A_261 : vector<16xi1>, vector<16xf32>
      %max3A_263 = arith.maximumf %select_n3A_223, %select_n3A_236 : vector<16xf32>
      %max3A_264 = arith.maximumf %max3A_263, %select_n3A_249 : vector<16xf32>
      %max3A_265 = arith.maximumf %max3A_264, %select_n3A_262 : vector<16xf32>
      %reduce_max3A_266 = arith.constant true
      %reduce_max3A_267 = vector.broadcast %reduce_max3A_266 : i1 to vector<16xi1>
      %reduce_max3A_268 = tpu.scan <max>, %max3A_265 masked %reduce_max3A_267 : vector<16xf32>, vector<16xi1> -> vector<16xf32>
      %reduce_max3A_269 = vector.extract %reduce_max3A_268[15] : f32 from vector<16xf32>
      %sub3A_270 = vector.broadcast %reduce_max3A_269 : f32 to vector<16xf32>
      %sub3A_271 = arith.subf %select_n3A_223, %sub3A_270 : vector<16xf32>
      %exp3A_272 = math.exp %sub3A_271 : vector<16xf32>
      %sub3A_273 = vector.broadcast %reduce_max3A_269 : f32 to vector<16xf32>
      %sub3A_274 = arith.subf %select_n3A_236, %sub3A_273 : vector<16xf32>
      %exp3A_275 = math.exp %sub3A_274 : vector<16xf32>
      %sub3A_276 = vector.broadcast %reduce_max3A_269 : f32 to vector<16xf32>
      %sub3A_277 = arith.subf %select_n3A_249, %sub3A_276 : vector<16xf32>
      %exp3A_278 = math.exp %sub3A_277 : vector<16xf32>
      %sub3A_279 = vector.broadcast %reduce_max3A_269 : f32 to vector<16xf32>
      %sub3A_280 = arith.subf %select_n3A_262, %sub3A_279 : vector<16xf32>
      %exp3A_281 = math.exp %sub3A_280 : vector<16xf32>
      %add3A_282 = arith.addf %exp3A_272, %exp3A_275 : vector<16xf32>
      %add3A_283 = arith.addf %add3A_282, %exp3A_278 : vector<16xf32>
      %add3A_284 = arith.addf %add3A_283, %exp3A_281 : vector<16xf32>
      %reduce_sum3A_285 = arith.constant true
      %reduce_sum3A_286 = vector.broadcast %reduce_sum3A_285 : i1 to vector<16xi1>
      %reduce_sum3A_287 = tpu.scan <sum>, %add3A_284 masked %reduce_sum3A_286 : vector<16xf32>, vector<16xi1> -> vector<16xf32>
      %reduce_sum3A_288 = vector.extract %reduce_sum3A_287[15] : f32 from vector<16xf32>
      %div3A_289 = vector.broadcast %reduce_sum3A_288 : f32 to vector<16xf32>
      %div3A_290 = arith.divf %exp3A_272, %div3A_289 : vector<16xf32>
      %add3A_291 = arith.constant 0 : i32
      %add3A_292 = arith.addi %mul3A_210, %add3A_291 : i32
      %swap3A_293 = arith.index_cast %add3A_292 : i32 to index
      %swap3A_294 = tpu.vector_load %arg13[%swap3A_293] {strides = array<i32>} : memref<8192xf32, #tpu.memory_space<vmem>>, vector<16xf32>,
      tpu.vector_store %arg13[%swap3A_293], %div3A_290 {strides = array<i32>} : memref<8192xf32, #tpu.memory_space<vmem>>, vector<16xf32>,
      %div3A_295 = vector.broadcast %reduce_sum3A_288 : f32 to vector<16xf32>
      %div3A_296 = arith.divf %exp3A_275, %div3A_295 : vector<16xf32>
      %add3A_297 = arith.constant 16 : i32
      %add3A_298 = arith.addi %mul3A_210, %add3A_297 : i32
      %swap3A_299 = arith.index_cast %add3A_298 : i32 to index
      %swap3A_300 = tpu.vector_load %arg13[%swap3A_299] {strides = array<i32>} : memref<8192xf32, #tpu.memory_space<vmem>>, vector<16xf32>,
      tpu.vector_store %arg13[%swap3A_299], %div3A_296 {strides = array<i32>} : memref<8192xf32, #tpu.memory_space<vmem>>, vector<16xf32>,
      %div3A_301 = vector.broadcast %reduce_sum3A_288 : f32 to vector<16xf32>
      %div3A_302 = arith.divf %exp3A_278, %div3A_301 : vector<16xf32>
      %add3A_303 = arith.constant 32 : i32
      %add3A_304 = arith.addi %mul3A_210, %add3A_303 : i32
      %swap3A_305 = arith.index_cast %add3A_304 : i32 to index
      %swap3A_306 = tpu.vector_load %arg13[%swap3A_305] {strides = array<i32>} : memref<8192xf32, #tpu.memory_space<vmem>>, vector<16xf32>,
      tpu.vector_store %arg13[%swap3A_305], %div3A_302 {strides = array<i32>} : memref<8192xf32, #tpu.memory_space<vmem>>, vector<16xf32>,
      %div3A_307 = vector.broadcast %reduce_sum3A_288 : f32 to vector<16xf32>
      %div3A_308 = arith.divf %exp3A_281, %div3A_307 : vector<16xf32>
      %add3A_309 = arith.constant 48 : i32
      %add3A_310 = arith.addi %mul3A_210, %add3A_309 : i32
      %swap3A_311 = arith.index_cast %add3A_310 : i32 to index
      %swap3A_312 = tpu.vector_load %arg13[%swap3A_311] {strides = array<i32>} : memref<8192xf32, #tpu.memory_space<vmem>>, vector<16xf32>,
      tpu.vector_store %arg13[%swap3A_311], %div3A_308 {strides = array<i32>} : memref<8192xf32, #tpu.memory_space<vmem>>, vector<16xf32>,
      %mul3A_313 = arith.constant 4 : i32
      %mul3A_314 = arith.muli %scan3A_103, %mul3A_313 : i32
      %add3A_315 = arith.constant 2 : i32
      %add3A_316 = arith.addi %mul3A_314, %add3A_315 : i32
      %broadcast_in_dim3A_317 = vector.broadcast %add3A_316 : i32 to vector<16xi32>
      %gather3A_318 = tpu.vector_load_idx %arg12[%broadcast_in_dim3A_317] : memref<128xf32, #tpu.memory_space<vmem>>[vector<16xi32>], vector<16xf32>,
      %mul3A_319 = arith.constant 64 : i32
      %mul3A_320 = arith.muli %add3A_316, %mul3A_319 : i32
      %add3A_321 = arith.constant 0 : i32
      %add3A_322 = arith.addi %mul3A_320, %add3A_321 : i32
      %get3A_323 = arith.index_cast %add3A_322 : i32 to index
      %get3A_324 = tpu.vector_load %arg10[%get3A_323] {strides = array<i32>} : memref<8192xi32, #tpu.memory_space<vmem>>, vector<16xi32>,
      %gather3A_325 = tpu.vector_load_idx %arg9[%get3A_324] : memref<50000xf32, #tpu.memory_space<vmem>>[vector<16xi32>], vector<16xf32>,
      %add3A_326 = arith.addf %gather3A_325, %gather3A_318 : vector<16xf32>
      %ge3A_327 = arith.constant 0.000000e+00 : f32
      %ge3A_328 = vector.broadcast %ge3A_327 : f32 to vector<16xf32>
      %ge3A_329 = arith.cmpf oge, %add3A_326, %ge3A_328 : vector<16xf32>
      %mul3A_330 = arith.constant 0.00999999977 : f32
      %mul3A_331 = vector.broadcast %mul3A_330 : f32 to vector<16xf32>
      %mul3A_332 = arith.mulf %mul3A_331, %add3A_326 : vector<16xf32>
      %select_n3A_333 = arith.select %ge3A_329, %add3A_326, %mul3A_332 : vector<16xi1>, vector<16xf32>
      %add3A_334 = arith.constant 16 : i32
      %add3A_335 = arith.addi %mul3A_320, %add3A_334 : i32
      %get3A_336 = arith.index_cast %add3A_335 : i32 to index
      %get3A_337 = tpu.vector_load %arg10[%get3A_336] {strides = array<i32>} : memref<8192xi32, #tpu.memory_space<vmem>>, vector<16xi32>,
      %gather3A_338 = tpu.vector_load_idx %arg9[%get3A_337] : memref<50000xf32, #tpu.memory_space<vmem>>[vector<16xi32>], vector<16xf32>,
      %add3A_339 = arith.addf %gather3A_338, %gather3A_318 : vector<16xf32>
      %ge3A_340 = arith.constant 0.000000e+00 : f32
      %ge3A_341 = vector.broadcast %ge3A_340 : f32 to vector<16xf32>
      %ge3A_342 = arith.cmpf oge, %add3A_339, %ge3A_341 : vector<16xf32>
      %mul3A_343 = arith.constant 0.00999999977 : f32
      %mul3A_344 = vector.broadcast %mul3A_343 : f32 to vector<16xf32>
      %mul3A_345 = arith.mulf %mul3A_344, %add3A_339 : vector<16xf32>
      %select_n3A_346 = arith.select %ge3A_342, %add3A_339, %mul3A_345 : vector<16xi1>, vector<16xf32>
      %add3A_347 = arith.constant 32 : i32
      %add3A_348 = arith.addi %mul3A_320, %add3A_347 : i32
      %get3A_349 = arith.index_cast %add3A_348 : i32 to index
      %get3A_350 = tpu.vector_load %arg10[%get3A_349] {strides = array<i32>} : memref<8192xi32, #tpu.memory_space<vmem>>, vector<16xi32>,
      %gather3A_351 = tpu.vector_load_idx %arg9[%get3A_350] : memref<50000xf32, #tpu.memory_space<vmem>>[vector<16xi32>], vector<16xf32>,
      %add3A_352 = arith.addf %gather3A_351, %gather3A_318 : vector<16xf32>
      %ge3A_353 = arith.constant 0.000000e+00 : f32
      %ge3A_354 = vector.broadcast %ge3A_353 : f32 to vector<16xf32>
      %ge3A_355 = arith.cmpf oge, %add3A_352, %ge3A_354 : vector<16xf32>
      %mul3A_356 = arith.constant 0.00999999977 : f32
      %mul3A_357 = vector.broadcast %mul3A_356 : f32 to vector<16xf32>
      %mul3A_358 = arith.mulf %mul3A_357, %add3A_352 : vector<16xf32>
      %select_n3A_359 = arith.select %ge3A_355, %add3A_352, %mul3A_358 : vector<16xi1>, vector<16xf32>
      %add3A_360 = arith.constant 48 : i32
      %add3A_361 = arith.addi %mul3A_320, %add3A_360 : i32
      %get3A_362 = arith.index_cast %add3A_361 : i32 to index
      %get3A_363 = tpu.vector_load %arg10[%get3A_362] {strides = array<i32>} : memref<8192xi32, #tpu.memory_space<vmem>>, vector<16xi32>,
      %gather3A_364 = tpu.vector_load_idx %arg9[%get3A_363] : memref<50000xf32, #tpu.memory_space<vmem>>[vector<16xi32>], vector<16xf32>,
      %add3A_365 = arith.addf %gather3A_364, %gather3A_318 : vector<16xf32>
      %ge3A_366 = arith.constant 0.000000e+00 : f32
      %ge3A_367 = vector.broadcast %ge3A_366 : f32 to vector<16xf32>
      %ge3A_368 = arith.cmpf oge, %add3A_365, %ge3A_367 : vector<16xf32>
      %mul3A_369 = arith.constant 0.00999999977 : f32
      %mul3A_370 = vector.broadcast %mul3A_369 : f32 to vector<16xf32>
      %mul3A_371 = arith.mulf %mul3A_370, %add3A_365 : vector<16xf32>
      %select_n3A_372 = arith.select %ge3A_368, %add3A_365, %mul3A_371 : vector<16xi1>, vector<16xf32>
      %max3A_373 = arith.maximumf %select_n3A_333, %select_n3A_346 : vector<16xf32>
      %max3A_374 = arith.maximumf %max3A_373, %select_n3A_359 : vector<16xf32>
      %max3A_375 = arith.maximumf %max3A_374, %select_n3A_372 : vector<16xf32>
      %reduce_max3A_376 = arith.constant true
      %reduce_max3A_377 = vector.broadcast %reduce_max3A_376 : i1 to vector<16xi1>
      %reduce_max3A_378 = tpu.scan <max>, %max3A_375 masked %reduce_max3A_377 : vector<16xf32>, vector<16xi1> -> vector<16xf32>
      %reduce_max3A_379 = vector.extract %reduce_max3A_378[15] : f32 from vector<16xf32>
      %sub3A_380 = vector.broadcast %reduce_max3A_379 : f32 to vector<16xf32>
      %sub3A_381 = arith.subf %select_n3A_333, %sub3A_380 : vector<16xf32>
      %exp3A_382 = math.exp %sub3A_381 : vector<16xf32>
      %sub3A_383 = vector.broadcast %reduce_max3A_379 : f32 to vector<16xf32>
      %sub3A_384 = arith.subf %select_n3A_346, %sub3A_383 : vector<16xf32>
      %exp3A_385 = math.exp %sub3A_384 : vector<16xf32>
      %sub3A_386 = vector.broadcast %reduce_max3A_379 : f32 to vector<16xf32>
      %sub3A_387 = arith.subf %select_n3A_359, %sub3A_386 : vector<16xf32>
      %exp3A_388 = math.exp %sub3A_387 : vector<16xf32>
      %sub3A_389 = vector.broadcast %reduce_max3A_379 : f32 to vector<16xf32>
      %sub3A_390 = arith.subf %select_n3A_372, %sub3A_389 : vector<16xf32>
      %exp3A_391 = math.exp %sub3A_390 : vector<16xf32>
      %add3A_392 = arith.addf %exp3A_382, %exp3A_385 : vector<16xf32>
      %add3A_393 = arith.addf %add3A_392, %exp3A_388 : vector<16xf32>
      %add3A_394 = arith.addf %add3A_393, %exp3A_391 : vector<16xf32>
      %reduce_sum3A_395 = arith.constant true
      %reduce_sum3A_396 = vector.broadcast %reduce_sum3A_395 : i1 to vector<16xi1>
      %reduce_sum3A_397 = tpu.scan <sum>, %add3A_394 masked %reduce_sum3A_396 : vector<16xf32>, vector<16xi1> -> vector<16xf32>
      %reduce_sum3A_398 = vector.extract %reduce_sum3A_397[15] : f32 from vector<16xf32>
      %div3A_399 = vector.broadcast %reduce_sum3A_398 : f32 to vector<16xf32>
      %div3A_400 = arith.divf %exp3A_382, %div3A_399 : vector<16xf32>
      %add3A_401 = arith.constant 0 : i32
      %add3A_402 = arith.addi %mul3A_320, %add3A_401 : i32
      %swap3A_403 = arith.index_cast %add3A_402 : i32 to index
      %swap3A_404 = tpu.vector_load %arg13[%swap3A_403] {strides = array<i32>} : memref<8192xf32, #tpu.memory_space<vmem>>, vector<16xf32>,
      tpu.vector_store %arg13[%swap3A_403], %div3A_400 {strides = array<i32>} : memref<8192xf32, #tpu.memory_space<vmem>>, vector<16xf32>,
      %div3A_405 = vector.broadcast %reduce_sum3A_398 : f32 to vector<16xf32>
      %div3A_406 = arith.divf %exp3A_385, %div3A_405 : vector<16xf32>
      %add3A_407 = arith.constant 16 : i32
      %add3A_408 = arith.addi %mul3A_320, %add3A_407 : i32
      %swap3A_409 = arith.index_cast %add3A_408 : i32 to index
      %swap3A_410 = tpu.vector_load %arg13[%swap3A_409] {strides = array<i32>} : memref<8192xf32, #tpu.memory_space<vmem>>, vector<16xf32>,
      tpu.vector_store %arg13[%swap3A_409], %div3A_406 {strides = array<i32>} : memref<8192xf32, #tpu.memory_space<vmem>>, vector<16xf32>,
      %div3A_411 = vector.broadcast %reduce_sum3A_398 : f32 to vector<16xf32>
      %div3A_412 = arith.divf %exp3A_388, %div3A_411 : vector<16xf32>
      %add3A_413 = arith.constant 32 : i32
      %add3A_414 = arith.addi %mul3A_320, %add3A_413 : i32
      %swap3A_415 = arith.index_cast %add3A_414 : i32 to index
      %swap3A_416 = tpu.vector_load %arg13[%swap3A_415] {strides = array<i32>} : memref<8192xf32, #tpu.memory_space<vmem>>, vector<16xf32>,
      tpu.vector_store %arg13[%swap3A_415], %div3A_412 {strides = array<i32>} : memref<8192xf32, #tpu.memory_space<vmem>>, vector<16xf32>,
      %div3A_417 = vector.broadcast %reduce_sum3A_398 : f32 to vector<16xf32>
      %div3A_418 = arith.divf %exp3A_391, %div3A_417 : vector<16xf32>
      %add3A_419 = arith.constant 48 : i32
      %add3A_420 = arith.addi %mul3A_320, %add3A_419 : i32
      %swap3A_421 = arith.index_cast %add3A_420 : i32 to index
      %swap3A_422 = tpu.vector_load %arg13[%swap3A_421] {strides = array<i32>} : memref<8192xf32, #tpu.memory_space<vmem>>, vector<16xf32>,
      tpu.vector_store %arg13[%swap3A_421], %div3A_418 {strides = array<i32>} : memref<8192xf32, #tpu.memory_space<vmem>>, vector<16xf32>,
      %mul3A_423 = arith.constant 4 : i32
      %mul3A_424 = arith.muli %scan3A_103, %mul3A_423 : i32
      %add3A_425 = arith.constant 3 : i32
      %add3A_426 = arith.addi %mul3A_424, %add3A_425 : i32
      %broadcast_in_dim3A_427 = vector.broadcast %add3A_426 : i32 to vector<16xi32>
      %gather3A_428 = tpu.vector_load_idx %arg12[%broadcast_in_dim3A_427] : memref<128xf32, #tpu.memory_space<vmem>>[vector<16xi32>], vector<16xf32>,
      %mul3A_429 = arith.constant 64 : i32
      %mul3A_430 = arith.muli %add3A_426, %mul3A_429 : i32
      %add3A_431 = arith.constant 0 : i32
      %add3A_432 = arith.addi %mul3A_430, %add3A_431 : i32
      %get3A_433 = arith.index_cast %add3A_432 : i32 to index
      %get3A_434 = tpu.vector_load %arg10[%get3A_433] {strides = array<i32>} : memref<8192xi32, #tpu.memory_space<vmem>>, vector<16xi32>,
      %gather3A_435 = tpu.vector_load_idx %arg9[%get3A_434] : memref<50000xf32, #tpu.memory_space<vmem>>[vector<16xi32>], vector<16xf32>,
      %add3A_436 = arith.addf %gather3A_435, %gather3A_428 : vector<16xf32>
      %ge3A_437 = arith.constant 0.000000e+00 : f32
      %ge3A_438 = vector.broadcast %ge3A_437 : f32 to vector<16xf32>
      %ge3A_439 = arith.cmpf oge, %add3A_436, %ge3A_438 : vector<16xf32>
      %mul3A_440 = arith.constant 0.00999999977 : f32
      %mul3A_441 = vector.broadcast %mul3A_440 : f32 to vector<16xf32>
      %mul3A_442 = arith.mulf %mul3A_441, %add3A_436 : vector<16xf32>
      %select_n3A_443 = arith.select %ge3A_439, %add3A_436, %mul3A_442 : vector<16xi1>, vector<16xf32>
      %add3A_444 = arith.constant 16 : i32
      %add3A_445 = arith.addi %mul3A_430, %add3A_444 : i32
      %get3A_446 = arith.index_cast %add3A_445 : i32 to index
      %get3A_447 = tpu.vector_load %arg10[%get3A_446] {strides = array<i32>} : memref<8192xi32, #tpu.memory_space<vmem>>, vector<16xi32>,
      %gather3A_448 = tpu.vector_load_idx %arg9[%get3A_447] : memref<50000xf32, #tpu.memory_space<vmem>>[vector<16xi32>], vector<16xf32>,
      %add3A_449 = arith.addf %gather3A_448, %gather3A_428 : vector<16xf32>
      %ge3A_450 = arith.constant 0.000000e+00 : f32
      %ge3A_451 = vector.broadcast %ge3A_450 : f32 to vector<16xf32>
      %ge3A_452 = arith.cmpf oge, %add3A_449, %ge3A_451 : vector<16xf32>
      %mul3A_453 = arith.constant 0.00999999977 : f32
      %mul3A_454 = vector.broadcast %mul3A_453 : f32 to vector<16xf32>
      %mul3A_455 = arith.mulf %mul3A_454, %add3A_449 : vector<16xf32>
      %select_n3A_456 = arith.select %ge3A_452, %add3A_449, %mul3A_455 : vector<16xi1>, vector<16xf32>
      %add3A_457 = arith.constant 32 : i32
      %add3A_458 = arith.addi %mul3A_430, %add3A_457 : i32
      %get3A_459 = arith.index_cast %add3A_458 : i32 to index
      %get3A_460 = tpu.vector_load %arg10[%get3A_459] {strides = array<i32>} : memref<8192xi32, #tpu.memory_space<vmem>>, vector<16xi32>,
      %gather3A_461 = tpu.vector_load_idx %arg9[%get3A_460] : memref<50000xf32, #tpu.memory_space<vmem>>[vector<16xi32>], vector<16xf32>,
      %add3A_462 = arith.addf %gather3A_461, %gather3A_428 : vector<16xf32>
      %ge3A_463 = arith.constant 0.000000e+00 : f32
      %ge3A_464 = vector.broadcast %ge3A_463 : f32 to vector<16xf32>
      %ge3A_465 = arith.cmpf oge, %add3A_462, %ge3A_464 : vector<16xf32>
      %mul3A_466 = arith.constant 0.00999999977 : f32
      %mul3A_467 = vector.broadcast %mul3A_466 : f32 to vector<16xf32>
      %mul3A_468 = arith.mulf %mul3A_467, %add3A_462 : vector<16xf32>
      %select_n3A_469 = arith.select %ge3A_465, %add3A_462, %mul3A_468 : vector<16xi1>, vector<16xf32>
      %add3A_470 = arith.constant 48 : i32
      %add3A_471 = arith.addi %mul3A_430, %add3A_470 : i32
      %get3A_472 = arith.index_cast %add3A_471 : i32 to index
      %get3A_473 = tpu.vector_load %arg10[%get3A_472] {strides = array<i32>} : memref<8192xi32, #tpu.memory_space<vmem>>, vector<16xi32>,
      %gather3A_474 = tpu.vector_load_idx %arg9[%get3A_473] : memref<50000xf32, #tpu.memory_space<vmem>>[vector<16xi32>], vector<16xf32>,
      %add3A_475 = arith.addf %gather3A_474, %gather3A_428 : vector<16xf32>
      %ge3A_476 = arith.constant 0.000000e+00 : f32
      %ge3A_477 = vector.broadcast %ge3A_476 : f32 to vector<16xf32>
      %ge3A_478 = arith.cmpf oge, %add3A_475, %ge3A_477 : vector<16xf32>
      %mul3A_479 = arith.constant 0.00999999977 : f32
      %mul3A_480 = vector.broadcast %mul3A_479 : f32 to vector<16xf32>
      %mul3A_481 = arith.mulf %mul3A_480, %add3A_475 : vector<16xf32>
      %select_n3A_482 = arith.select %ge3A_478, %add3A_475, %mul3A_481 : vector<16xi1>, vector<16xf32>
      %max3A_483 = arith.maximumf %select_n3A_443, %select_n3A_456 : vector<16xf32>
      %max3A_484 = arith.maximumf %max3A_483, %select_n3A_469 : vector<16xf32>
      %max3A_485 = arith.maximumf %max3A_484, %select_n3A_482 : vector<16xf32>
      %reduce_max3A_486 = arith.constant true
      %reduce_max3A_487 = vector.broadcast %reduce_max3A_486 : i1 to vector<16xi1>
      %reduce_max3A_488 = tpu.scan <max>, %max3A_485 masked %reduce_max3A_487 : vector<16xf32>, vector<16xi1> -> vector<16xf32>
      %reduce_max3A_489 = vector.extract %reduce_max3A_488[15] : f32 from vector<16xf32>
      %sub3A_490 = vector.broadcast %reduce_max3A_489 : f32 to vector<16xf32>
      %sub3A_491 = arith.subf %select_n3A_443, %sub3A_490 : vector<16xf32>
      %exp3A_492 = math.exp %sub3A_491 : vector<16xf32>
      %sub3A_493 = vector.broadcast %reduce_max3A_489 : f32 to vector<16xf32>
      %sub3A_494 = arith.subf %select_n3A_456, %sub3A_493 : vector<16xf32>
      %exp3A_495 = math.exp %sub3A_494 : vector<16xf32>
      %sub3A_496 = vector.broadcast %reduce_max3A_489 : f32 to vector<16xf32>
      %sub3A_497 = arith.subf %select_n3A_469, %sub3A_496 : vector<16xf32>
      %exp3A_498 = math.exp %sub3A_497 : vector<16xf32>
      %sub3A_499 = vector.broadcast %reduce_max3A_489 : f32 to vector<16xf32>
      %sub3A_500 = arith.subf %select_n3A_482, %sub3A_499 : vector<16xf32>
      %exp3A_501 = math.exp %sub3A_500 : vector<16xf32>
      %add3A_502 = arith.addf %exp3A_492, %exp3A_495 : vector<16xf32>
      %add3A_503 = arith.addf %add3A_502, %exp3A_498 : vector<16xf32>
      %add3A_504 = arith.addf %add3A_503, %exp3A_501 : vector<16xf32>
      %reduce_sum3A_505 = arith.constant true
      %reduce_sum3A_506 = vector.broadcast %reduce_sum3A_505 : i1 to vector<16xi1>
      %reduce_sum3A_507 = tpu.scan <sum>, %add3A_504 masked %reduce_sum3A_506 : vector<16xf32>, vector<16xi1> -> vector<16xf32>
      %reduce_sum3A_508 = vector.extract %reduce_sum3A_507[15] : f32 from vector<16xf32>
      %div3A_509 = vector.broadcast %reduce_sum3A_508 : f32 to vector<16xf32>
      %div3A_510 = arith.divf %exp3A_492, %div3A_509 : vector<16xf32>
      %add3A_511 = arith.constant 0 : i32
      %add3A_512 = arith.addi %mul3A_430, %add3A_511 : i32
      %swap3A_513 = arith.index_cast %add3A_512 : i32 to index
      %swap3A_514 = tpu.vector_load %arg13[%swap3A_513] {strides = array<i32>} : memref<8192xf32, #tpu.memory_space<vmem>>, vector<16xf32>,
      tpu.vector_store %arg13[%swap3A_513], %div3A_510 {strides = array<i32>} : memref<8192xf32, #tpu.memory_space<vmem>>, vector<16xf32>,
      %div3A_515 = vector.broadcast %reduce_sum3A_508 : f32 to vector<16xf32>
      %div3A_516 = arith.divf %exp3A_495, %div3A_515 : vector<16xf32>
      %add3A_517 = arith.constant 16 : i32
      %add3A_518 = arith.addi %mul3A_430, %add3A_517 : i32
      %swap3A_519 = arith.index_cast %add3A_518 : i32 to index
      %swap3A_520 = tpu.vector_load %arg13[%swap3A_519] {strides = array<i32>} : memref<8192xf32, #tpu.memory_space<vmem>>, vector<16xf32>,
      tpu.vector_store %arg13[%swap3A_519], %div3A_516 {strides = array<i32>} : memref<8192xf32, #tpu.memory_space<vmem>>, vector<16xf32>,
      %div3A_521 = vector.broadcast %reduce_sum3A_508 : f32 to vector<16xf32>
      %div3A_522 = arith.divf %exp3A_498, %div3A_521 : vector<16xf32>
      %add3A_523 = arith.constant 32 : i32
      %add3A_524 = arith.addi %mul3A_430, %add3A_523 : i32
      %swap3A_525 = arith.index_cast %add3A_524 : i32 to index
      %swap3A_526 = tpu.vector_load %arg13[%swap3A_525] {strides = array<i32>} : memref<8192xf32, #tpu.memory_space<vmem>>, vector<16xf32>,
      tpu.vector_store %arg13[%swap3A_525], %div3A_522 {strides = array<i32>} : memref<8192xf32, #tpu.memory_space<vmem>>, vector<16xf32>,
      %div3A_527 = vector.broadcast %reduce_sum3A_508 : f32 to vector<16xf32>
      %div3A_528 = arith.divf %exp3A_501, %div3A_527 : vector<16xf32>
      %add3A_529 = arith.constant 48 : i32
      %add3A_530 = arith.addi %mul3A_430, %add3A_529 : i32
      %swap3A_531 = arith.index_cast %add3A_530 : i32 to index
      %swap3A_532 = tpu.vector_load %arg13[%swap3A_531] {strides = array<i32>} : memref<8192xf32, #tpu.memory_space<vmem>>, vector<16xf32>,
      tpu.vector_store %arg13[%swap3A_531], %div3A_528 {strides = array<i32>} : memref<8192xf32, #tpu.memory_space<vmem>>, vector<16xf32>,
      %scan3A_533 = arith.constant 0 : i32
      scf.yield %scan3A_533 : i32
    }
    %scan3A_91 = arith.constant 32 : i32
    "tpu.trace_stop"() : () -> ()
    %mul3A_92 = arith.constant 64 : i32
    %mul3A_93 = arith.muli %mul3A_2, %mul3A_92 : i32
    %dma_start3A_94 = tpu.memref_slice %arg7[%mul3A_93] : memref<262144xf32, #tpu.memory_space<hbm>> -> memref<8192xf32, #tpu.memory_space<hbm>>
    %dma_start3A_95 = tpu.memref_slice %arg7[%mul3A_93] : memref<262144xf32, #tpu.memory_space<hbm>> -> memref<8192xf32, #tpu.memory_space<hbm>>
    tpu.enqueue_dma source(%arg13 : memref<8192xf32, #tpu.memory_space<vmem>>) target(%dma_start3A_95 : memref<8192xf32, #tpu.memory_space<hbm>>) target_semaphore(%arg17 : memref<!tpu.dma_semaphore, #tpu.memory_space<semaphore_mem>>)
    %eq3A_96 = arith.constant 0 : i32
    %eq3A_97 = arith.cmpi eq, %add3A, %eq3A_96 : i32
    %convert_element_type3A_98 = arith.extui %eq3A_97 : i1 to i32
    %cond3A_99 = arith.constant 0 : i32
    %cond3A_100 = arith.cmpi ne, %convert_element_type3A_98, %cond3A_99 : i32
    scf.if %cond3A_100 {
      %dma_wait3A_103 = arith.constant 0 : i32
      %dma_wait3A_104 = tpu.memref_slice %arg4[%dma_wait3A_103] : memref<50000xf32, #tpu.memory_space<hbm>> -> memref<4096xf32, #tpu.memory_space<hbm>>
      %dma_wait3A_105 = arith.constant 0 : i32
      %dma_wait3A_106 = tpu.memref_slice %arg4[%dma_wait3A_105] : memref<50000xf32, #tpu.memory_space<hbm>> -> memref<4096xf32, #tpu.memory_space<hbm>>
      tpu.wait_dma2 semaphore(%arg20 : memref<!tpu.dma_semaphore, #tpu.memory_space<semaphore_mem>>) src(%dma_wait3A_106 : memref<4096xf32, #tpu.memory_space<hbm>>) dst(%arg15 : memref<4096xf32, #tpu.memory_space<vmem>>)
      %broadcast_in_dim3A = arith.constant -1.000000e+30 : f32
      %broadcast_in_dim3A_107 = vector.broadcast %broadcast_in_dim3A : f32 to vector<16xf32>
      %scan3A_108 = arith.constant 0 : i32
      %scan3A_109 = arith.constant 256 : i32
      %scan3A_110 = arith.addi %scan3A_108, %scan3A_109 : i32
      %scan3A_111 = arith.constant 1 : i32
      %scan3A_112 = scf.for %scan3A_135 = %scan3A_108 to %scan3A_110 step %scan3A_111 iter_args(%scan3A_136 = %broadcast_in_dim3A_107) -> (vector<16xf32>)  : i32 {
        %mul3A_137 = arith.constant 16 : i32
        %mul3A_138 = arith.muli %scan3A_135, %mul3A_137 : i32
        %get3A = arith.index_cast %mul3A_138 : i32 to index
        %get3A_139 = tpu.vector_load %arg15[%get3A] {strides = array<i32>} : memref<4096xf32, #tpu.memory_space<vmem>>, vector<16xf32>,
        %ge3A = arith.constant 0.000000e+00 : f32
        %ge3A_140 = vector.broadcast %ge3A : f32 to vector<16xf32>
        %ge3A_141 = arith.cmpf oge, %get3A_139, %ge3A_140 : vector<16xf32>
        %mul3A_142 = arith.constant 0.00999999977 : f32
        %mul3A_143 = vector.broadcast %mul3A_142 : f32 to vector<16xf32>
        %mul3A_144 = arith.mulf %mul3A_143, %get3A_139 : vector<16xf32>
        %select_n3A = arith.select %ge3A_141, %get3A_139, %mul3A_144 : vector<16xi1>, vector<16xf32>
        %mul3A_145 = arith.constant 16 : i32
        %mul3A_146 = arith.muli %scan3A_135, %mul3A_145 : i32
        %swap3A = arith.index_cast %mul3A_146 : i32 to index
        %swap3A_147 = tpu.vector_load %arg15[%swap3A] {strides = array<i32>} : memref<4096xf32, #tpu.memory_space<vmem>>, vector<16xf32>,
        tpu.vector_store %arg15[%swap3A], %select_n3A {strides = array<i32>} : memref<4096xf32, #tpu.memory_space<vmem>>, vector<16xf32>,
        %max3A = arith.maximumf %scan3A_136, %select_n3A : vector<16xf32>
        scf.yield %max3A : vector<16xf32>
      }
      %scan3A_113 = arith.constant 256 : i32
      %reduce_max3A = arith.constant true
      %reduce_max3A_114 = vector.broadcast %reduce_max3A : i1 to vector<16xi1>
      %reduce_max3A_115 = tpu.scan <max>, %scan3A_112 masked %reduce_max3A_114 : vector<16xf32>, vector<16xi1> -> vector<16xf32>
      %reduce_max3A_116 = vector.extract %reduce_max3A_115[15] : f32 from vector<16xf32>
      %broadcast_in_dim3A_117 = arith.constant 0.000000e+00 : f32
      %broadcast_in_dim3A_118 = vector.broadcast %broadcast_in_dim3A_117 : f32 to vector<16xf32>
      %scan3A_119 = arith.constant 0 : i32
      %scan3A_120 = arith.constant 256 : i32
      %scan3A_121 = arith.addi %scan3A_119, %scan3A_120 : i32
      %scan3A_122 = arith.constant 1 : i32
      %scan3A_123 = scf.for %scan3A_135 = %scan3A_119 to %scan3A_121 step %scan3A_122 iter_args(%scan3A_136 = %broadcast_in_dim3A_118) -> (vector<16xf32>)  : i32 {
        %mul3A_137 = arith.constant 16 : i32
        %mul3A_138 = arith.muli %scan3A_135, %mul3A_137 : i32
        %get3A = arith.index_cast %mul3A_138 : i32 to index
        %get3A_139 = tpu.vector_load %arg15[%get3A] {strides = array<i32>} : memref<4096xf32, #tpu.memory_space<vmem>>, vector<16xf32>,
        %sub3A = vector.broadcast %reduce_max3A_116 : f32 to vector<16xf32>
        %sub3A_140 = arith.subf %get3A_139, %sub3A : vector<16xf32>
        %exp3A = math.exp %sub3A_140 : vector<16xf32>
        %mul3A_141 = arith.constant 16 : i32
        %mul3A_142 = arith.muli %scan3A_135, %mul3A_141 : i32
        %swap3A = arith.index_cast %mul3A_142 : i32 to index
        %swap3A_143 = tpu.vector_load %arg15[%swap3A] {strides = array<i32>} : memref<4096xf32, #tpu.memory_space<vmem>>, vector<16xf32>,
        tpu.vector_store %arg15[%swap3A], %exp3A {strides = array<i32>} : memref<4096xf32, #tpu.memory_space<vmem>>, vector<16xf32>,
        %add3A_144 = arith.addf %scan3A_136, %exp3A : vector<16xf32>
        scf.yield %add3A_144 : vector<16xf32>
      }
      %scan3A_124 = arith.constant 256 : i32
      %reduce_sum3A = arith.constant true
      %reduce_sum3A_125 = vector.broadcast %reduce_sum3A : i1 to vector<16xi1>
      %reduce_sum3A_126 = tpu.scan <sum>, %scan3A_123 masked %reduce_sum3A_125 : vector<16xf32>, vector<16xi1> -> vector<16xf32>
      %reduce_sum3A_127 = vector.extract %reduce_sum3A_126[15] : f32 from vector<16xf32>
      "tpu.trace_start"() <{level = 10 : i32, message = "sc_agsm"}> : () -> ()
      %scan3A_128 = arith.constant 0 : i32
      %scan3A_129 = arith.constant 0 : i32
      %scan3A_130 = arith.constant 256 : i32
      %scan3A_131 = arith.addi %scan3A_129, %scan3A_130 : i32
      %scan3A_132 = arith.constant 1 : i32
      %scan3A_133 = scf.for %scan3A_135 = %scan3A_129 to %scan3A_131 step %scan3A_132 iter_args(%scan3A_136 = %scan3A_128) -> (i32)  : i32 {
        %mul3A_137 = arith.constant 16 : i32
        %mul3A_138 = arith.muli %scan3A_135, %mul3A_137 : i32
        %get3A = arith.index_cast %mul3A_138 : i32 to index
        %get3A_139 = tpu.vector_load %arg15[%get3A] {strides = array<i32>} : memref<4096xf32, #tpu.memory_space<vmem>>, vector<16xf32>,
        %div3A = vector.broadcast %reduce_sum3A_127 : f32 to vector<16xf32>
        %div3A_140 = arith.divf %get3A_139, %div3A : vector<16xf32>
        %mul3A_141 = arith.constant 16 : i32
        %mul3A_142 = arith.muli %scan3A_135, %mul3A_141 : i32
        %swap3A = arith.index_cast %mul3A_142 : i32 to index
        %swap3A_143 = tpu.vector_load %arg15[%swap3A] {strides = array<i32>} : memref<4096xf32, #tpu.memory_space<vmem>>, vector<16xf32>,
        tpu.vector_store %arg15[%swap3A], %div3A_140 {strides = array<i32>} : memref<4096xf32, #tpu.memory_space<vmem>>, vector<16xf32>,
        %scan3A_144 = arith.constant 0 : i32
        scf.yield %scan3A_144 : i32
      }
      %scan3A_134 = arith.constant 256 : i32
      "tpu.region"() ({
        %run_scoped3A = tpu.sem_alloc : memref<!tpu.dma_semaphore, #tpu.memory_space<semaphore_mem>>
        tpu.enqueue_dma source(%arg15 : memref<4096xf32, #tpu.memory_space<vmem>>) target(%arg8 : memref<4096xf32, #tpu.memory_space<hbm>>) target_semaphore(%run_scoped3A : memref<!tpu.dma_semaphore, #tpu.memory_space<semaphore_mem>>)
        tpu.wait_dma2 semaphore(%run_scoped3A : memref<!tpu.dma_semaphore, #tpu.memory_space<semaphore_mem>>) src(%arg15 : memref<4096xf32, #tpu.memory_space<vmem>>) dst(%arg8 : memref<4096xf32, #tpu.memory_space<hbm>>)
        tpu.yield
      }) : () -> ()
      "tpu.trace_stop"() : () -> ()
    } else {
    }
    %dma_wait3A_101 = tpu.memref_slice %arg7[%mul3A_93] : memref<262144xf32, #tpu.memory_space<hbm>> -> memref<8192xf32, #tpu.memory_space<hbm>>
    %dma_wait3A_102 = tpu.memref_slice %arg7[%mul3A_93] : memref<262144xf32, #tpu.memory_space<hbm>> -> memref<8192xf32, #tpu.memory_space<hbm>>
    tpu.wait_dma2 semaphore(%arg17 : memref<!tpu.dma_semaphore, #tpu.memory_space<semaphore_mem>>) src(%arg13 : memref<8192xf32, #tpu.memory_space<vmem>>) dst(%dma_wait3A_102 : memref<8192xf32, #tpu.memory_space<hbm>>)
    return
  }
}

module attributes {stable_mosaic.version = 14 : i64} {
  func.func @_dots_body(%arg0: i32, %arg1: memref<8192x128xf32, #tpu.memory_space<vmem>>, %arg2: memref<256x1xf32, #tpu.memory_space<vmem>>, %arg3: memref<128x1xf32, #tpu.memory_space<vmem>>, %arg4: memref<8192xf32, #tpu.memory_space<vmem>>, %arg5: memref<8192xf32, #tpu.memory_space<vmem>>, %arg6: memref<8192xf32, #tpu.memory_space<vmem>>) attributes {dimension_semantics = [#tpu.dimension_semantics<arbitrary>], iteration_bounds = array<i64: 7>, scalar_prefetch = 0 : i64, scratch_operands = 0 : i64, tpu.core_type = #tpu.core_type<tc>, window_params = [{transform_indices = @transform_0, window_bounds = array<i64: 8192, 128>}, {pipeline_mode = #tpu.pipeline_mode<synchronous>, transform_indices = @transform_1, window_bounds = array<i64: 256, 1>}, {pipeline_mode = #tpu.pipeline_mode<synchronous>, transform_indices = @transform_2, window_bounds = array<i64: 128, 1>}, {transform_indices = @transform_3, window_bounds = array<i64: 8192>}, {transform_indices = @transform_4, window_bounds = array<i64: 8192>}, {transform_indices = @transform_5, window_bounds = array<i64: 8192>}]} {
    %get3A = arith.constant 0 : index
    %get3A_0 = arith.constant 0 : index
    %get3A_1 = vector.load %arg1[%get3A, %get3A_0] : memref<8192x128xf32, #tpu.memory_space<vmem>>, vector<8192x128xf32>
    %get3A_2 = arith.constant 0 : index
    %get3A_3 = arith.constant 0 : index
    %get3A_4 = vector.load %arg2[%get3A_2, %get3A_3] : memref<256x1xf32, #tpu.memory_space<vmem>>, vector<128x1xf32>
    %get3A_5 = arith.constant 128 : index
    %get3A_6 = arith.constant 0 : index
    %get3A_7 = vector.load %arg2[%get3A_5, %get3A_6] : memref<256x1xf32, #tpu.memory_space<vmem>>, vector<128x1xf32>
    %get3A_8 = arith.constant 0 : index
    %get3A_9 = arith.constant 0 : index
    %get3A_10 = vector.load %arg3[%get3A_8, %get3A_9] : memref<128x1xf32, #tpu.memory_space<vmem>>, vector<128x1xf32>
    %concatenate3A = tpu.concatenate %get3A_4, %get3A_7, %get3A_10 in 1 : vector<128x1xf32>, vector<128x1xf32>, vector<128x1xf32> -> vector<128x3xf32>
    %dot_general3A = arith.constant dense<0.000000e+00> : vector<3x8192xf32>
    %dot_general3A_11 = tpu.matmul %concatenate3A, %get3A_1, %dot_general3A {dimension_numbers = #tpu.dot_dimension_numbers<[0], [1], [1], [0], [0, 1, 1, 0], [], []>, transpose_lhs_hint = false} : vector<128x3xf32>, vector<8192x128xf32>, vector<3x8192xf32> -> vector<3x8192xf32>
    %slice3A = vector.extract_strided_slice %dot_general3A_11 {offsets = [0, 0], sizes = [1, 8192], strides = [1, 1]} : vector<3x8192xf32> to vector<1x8192xf32>
    %squeeze3A = vector.shape_cast %slice3A : vector<1x8192xf32> to vector<8192xf32>
    %swap3A = arith.constant 0 : index
    %swap3A_12 = vector.load %arg4[%swap3A] : memref<8192xf32, #tpu.memory_space<vmem>>, vector<8192xf32>
    tpu.vector_store %arg4[%swap3A], %squeeze3A {strides = array<i32>} : memref<8192xf32, #tpu.memory_space<vmem>>, vector<8192xf32>,
    %slice3A_13 = vector.extract_strided_slice %dot_general3A_11 {offsets = [1, 0], sizes = [1, 8192], strides = [1, 1]} : vector<3x8192xf32> to vector<1x8192xf32>
    %squeeze3A_14 = vector.shape_cast %slice3A_13 : vector<1x8192xf32> to vector<8192xf32>
    %swap3A_15 = arith.constant 0 : index
    %swap3A_16 = vector.load %arg5[%swap3A_15] : memref<8192xf32, #tpu.memory_space<vmem>>, vector<8192xf32>
    tpu.vector_store %arg5[%swap3A_15], %squeeze3A_14 {strides = array<i32>} : memref<8192xf32, #tpu.memory_space<vmem>>, vector<8192xf32>,
    %slice3A_17 = vector.extract_strided_slice %dot_general3A_11 {offsets = [2, 0], sizes = [1, 8192], strides = [1, 1]} : vector<3x8192xf32> to vector<1x8192xf32>
    %squeeze3A_18 = vector.shape_cast %slice3A_17 : vector<1x8192xf32> to vector<8192xf32>
    %swap3A_19 = arith.constant 0 : index
    %swap3A_20 = vector.load %arg6[%swap3A_19] : memref<8192xf32, #tpu.memory_space<vmem>>, vector<8192xf32>
    tpu.vector_store %arg6[%swap3A_19], %squeeze3A_18 {strides = array<i32>} : memref<8192xf32, #tpu.memory_space<vmem>>, vector<8192xf32>,
    return
  }
  func.func @transform_0(%arg0: i32) -> (i32, i32) {
    %c0_i32 = arith.constant 0 : i32
    %c0_i32_0 = arith.constant 0 : i32
    return %arg0, %c0_i32 : i32, i32
  }
  func.func @transform_1(%arg0: i32) -> (i32, i32) {
    %c0_i32 = arith.constant 0 : i32
    %c0_i32_0 = arith.constant 0 : i32
    %c0_i32_1 = arith.constant 0 : i32
    return %c0_i32, %c0_i32_0 : i32, i32
  }
  func.func @transform_2(%arg0: i32) -> (i32, i32) {
    %c0_i32 = arith.constant 0 : i32
    %c0_i32_0 = arith.constant 0 : i32
    %c0_i32_1 = arith.constant 0 : i32
    return %c0_i32, %c0_i32_0 : i32, i32
  }
  func.func @transform_3(%arg0: i32) -> i32 {
    %c0_i32 = arith.constant 0 : i32
    return %arg0 : i32
  }
  func.func @transform_4(%arg0: i32) -> i32 {
    %c0_i32 = arith.constant 0 : i32
    return %arg0 : i32
  }
  func.func @transform_5(%arg0: i32) -> i32 {
    %c0_i32 = arith.constant 0 : i32
    return %arg0 : i32
  }
}

</mosaic_0001>

<sc_bundles>
// kernel: kernel.5.cloned.1.call-start
scs
__scs_entry_jumppad:
0x0: {  	(pc) =	sbr.rel $0x88, $3  }
0x1: {  	(tag) =	ssettag $0x0;
	lr =	simm.s32 $0x1  }
0x2: {  	[smem:$0x3F9B] =	sst lr;
	_ =	strace $0xD0000000  }
0x3: {  	_ = 	snop  }
0x4: {  	_ = 	snop  }
0x5: {  	_ = 	snop  }
0x6: {  	_ = 	snop  }
0x7: {  	_ = 	snop  }
__scs_overlays_trampoline_lowered:
0x8: {  	[smem:$0x3FAA] =	sst s0  }
0x9: {  	[smem:$0x3FAB] =	sst s1  }
0xa: {  	[smem:$0x3FAC] =	sst s2  }
0xb: {  	[smem:$0x3FAD] =	sst s3  }
0xc: {  	[smem:$0x3FAE] =	sst s4  }
0xd: {  	[smem:$0x3FAF] =	sst s5  }
0xe: {  	[smem:$0x3FB0] =	sst s6  }
0xf: {  	[smem:$0x3FB1] =	sst s7  }
0x10: {  	[smem:$0x3FB2] =	sst s8  }
0x11: {  	[smem:$0x3FB3] =	sst s9;
	s0 =	simm.s32 @!p0 $0x0  }
0x12: {  	s1 =	sld [smem:$0x3F99];
	s0 =	simm.s32 @p0 $0x1  }
0x13: {  	[smem:$0x3FB4] =	sst s0;
	s0 =	simm.s32 @!p1 $0x0  }
0x14: {  	s2 =	sld [smem:$0x3F98];
	s0 =	simm.s32 @p1 $0x1  }
0x15: {  	[smem:$0x3FB5] =	sst s0;
	s0 =	simm.s32 @!p2 $0x0  }
0x16: {  	s3 =	sld [smem:$0x3FDB];
	s0 =	simm.s32 @p2 $0x1  }
0x17: {  	s4 =	simm.s32 $0x1BF5;
	[smem:$0x3FB7] =	sst s0  }
0x18: {  	s0 =	sld [smem:$0x3F9A];
	_ =	swait.ge [sflag:s4], $0x0  }
0x19: {  	s7 =	sld [smem:$0x3F9B]  }
0x1a: {  	s8 =	sadd.s32 $0xFFFFE003, lr  }
0x1b: {  	s9 =	sadd.s32 $0xFFFFFEF7, lr;
	s5 =	simm.s32 $0xFFFFFFFF;
	p2 =	slt.u32 s8, $0xFFFFF086  }
0x1c: {  	p1 =	slt.u32 s9, $0xF7A;
	s5 =	simm.s32 @!p2 $0x0  }
0x1d: {  	s5 =	simm.s32 @p1 $0x1;
	p0 =	seq.s32 s7, s2  }
0x1e: {  	s7 =	smul.u32 @!p0 $0xF7A, s2;
	p2 =	seq.s32 @!p0 s5, $0x0  }
0x1f: {  	s9 =	smul.u32 $0xF7A, s1;
	s8 =	simm.s32 @!p0 $0x1BF5;
	p2 =	por !p2, p0  }
0x20: {  	[sflag:s8] =	ssyncset.s32 @!p0 $0xFFFFF086;
	s6 =	sadd.s32 @!p0 s3, s7;
	s7 =	simm.s32 @!p0 $0x108  }
0x21: {  	s3 =	sadd.s32 s3, s9;
	s6 =	sadd.s32 @!p0 $0x88, s6;
	s7 =	simm.s32 @p2 $0x1082  }
0x22: {  	[simem:s7], [sflag:s8] =	dma.local @!p0 [hbm:s6], $0xF7A  }
0x23: {  	s9 =	sor.u32 $0xD0000000, s2;
	s6 =	simm.s32 $0x108;
	_ =	swait.ge @!p0 [sflag:s8], $0x0  }
0x24: {  	s3 =	sadd.s32 $0x88, s3;
	s6 =	simm.s32 @!p1 $0x1082;
	[sflag:s4] =	ssyncset.s32 $0xFFFFF086  }
0x25: {  	[simem:s6], [sflag:s4] =	dma.local [hbm:s3], $0xF7A  }
0x26: {  	[smem:$0x3F9B] =	sst s1;
	(tag) =	ssettag s2;
	_ =	strace s9  }
0x27: {  	s1 =	sld [smem:$0x3FAB]  }
0x28: {  	s2 =	sld [smem:$0x3FAC]  }
0x29: {  	s4 =	sld [smem:$0x3FAE]  }
0x2a: {  	p0 =	seq.s32 s5, $0x0;
	s5 =	sld [smem:$0x3FAF]  }
0x2b: {  	s6 =	sld [smem:$0x3FB0]  }
0x2c: {  	s7 =	sld [smem:$0x3FB1]  }
0x2d: {  	s3 =	simm.s32 $0x108;
	s8 =	sld [smem:$0x3FB2]  }
0x2e: {  	s3 =	simm.s32 @!p0 $0x1082;
	s9 =	sld [smem:$0x3FB3]  }
0x2f: {  	lr =	sadd.s32 s0, s3;
	s0 =	sld [smem:$0x3FAA]  }
0x30: {  	s3 =	sld [smem:$0x3FAD]  }
0x31: {  	[smem:$0x3FB6] =	sst s10  }
0x32: {  	s10 =	sld [smem:$0x3FB4];
	_ =	sdelay $0x3  }
0x33: {  	p0 =	seq.s32 s10, $0x1;
	s10 =	sld [smem:$0x3FB6];
	_ =	sdelay $0x3  }
0x34: {  	[smem:$0x3FB6] =	sst s10  }
0x35: {  	s10 =	sld [smem:$0x3FB5];
	_ =	sdelay $0x3  }
0x36: {  	p1 =	seq.s32 s10, $0x1;
	s10 =	sld [smem:$0x3FB6];
	_ =	sdelay $0x3  }
0x37: {  	[smem:$0x3FB6] =	sst s10  }
0x38: {  	s10 =	sld [smem:$0x3FB7]  }
0x39: {  	_ = 	snop;
	(pc) =	sbr.ind lr, $3  }
0x3a: {  	_ = 	snop  }
0x3b: {  	_ = 	snop  }
0x3c: {  	p2 =	seq.s32 s10, $0x1;
	s10 =	sld [smem:$0x3FB6]  }
0x3d: {  	_ =	shalt  }
0x3e: {  	_ =	shalt  }
0x3f: {  	_ =	shalt  }
0x40: {  	_ =	shalt  }
0x41: {  	_ =	shalt  }
0x42: {  	_ =	shalt  }
0x43: {  	_ =	shalt  }
0x44: {  	_ =	shalt  }
0x45: {  	_ =	shalt  }
0x46: {  	_ =	shalt  }
0x47: {  	_ =	shalt  }
0x48: {  	_ =	shalt  }
0x49: {  	_ =	shalt  }
0x4a: {  	_ =	shalt  }
0x4b: {  	_ =	shalt  }
0x4c: {  	_ =	shalt  }
0x4d: {  	_ =	shalt  }
0x4e: {  	_ =	shalt  }
0x4f: {  	_ =	shalt  }
0x50: {  	_ =	shalt  }
0x51: {  	_ =	shalt  }
0x52: {  	_ =	shalt  }
0x53: {  	_ =	shalt  }
0x54: {  	_ =	shalt  }
0x55: {  	_ =	shalt  }
0x56: {  	_ =	shalt  }
0x57: {  	_ =	shalt  }
0x58: {  	_ =	shalt  }
0x59: {  	_ =	shalt  }
0x5a: {  	_ =	shalt  }
0x5b: {  	_ =	shalt  }
0x5c: {  	_ =	shalt  }
0x5d: {  	_ =	shalt  }
0x5e: {  	_ =	shalt  }
0x5f: {  	_ =	shalt  }
0x60: {  	_ =	shalt  }
0x61: {  	_ =	shalt  }
0x62: {  	_ =	shalt  }
0x63: {  	_ =	shalt  }
0x64: {  	_ =	shalt  }
0x65: {  	_ =	shalt  }
0x66: {  	_ =	shalt  }
0x67: {  	_ =	shalt  }
0x68: {  	_ =	shalt  }
0x69: {  	_ =	shalt  }
0x6a: {  	_ =	shalt  }
0x6b: {  	_ =	shalt  }
0x6c: {  	_ =	shalt  }
0x6d: {  	_ =	shalt  }
0x6e: {  	_ =	shalt  }
0x6f: {  	_ =	shalt  }
0x70: {  	_ =	shalt  }
0x71: {  	_ =	shalt  }
0x72: {  	_ =	shalt  }
0x73: {  	_ =	shalt  }
0x74: {  	_ =	shalt  }
0x75: {  	_ =	shalt  }
0x76: {  	_ =	shalt  }
0x77: {  	_ =	shalt  }
0x78: {  	_ =	shalt  }
0x79: {  	_ =	shalt  }
0x7a: {  	_ =	shalt  }
0x7b: {  	_ =	shalt  }
0x7c: {  	_ =	shalt  }
0x7d: {  	_ =	shalt  }
0x7e: {  	_ =	shalt  }
0x7f: {  	_ =	shalt  }
0x80: {  	_ =	shalt  }
0x81: {  	_ =	shalt  }
0x82: {  	_ =	shalt  }
0x83: {  	_ =	shalt  }
0x84: {  	_ =	shalt  }
0x85: {  	_ =	shalt  }
0x86: {  	_ =	shalt  }
0x87: {  	_ =	shalt  }
.Lfunc_end0:
.L_simem_size_0:
called_computation_lowered:
.L_overlay_start_0:
0x88: {  	s2 =	sld [smem:$0x3FD9]  }
0x89: {  	s3 =	sld [smem:$0x3FFE];
	_ =	sdelay $0x1  }
0x8a: {  	s1 =	srdreg.scid  }
0x8b: {  	s0 =	sand.u32 $0x1, s1  }
0x8c: {  	s14 =	sshll.u32 s0, $0xA;
	s2 =	sadd.s32 s3, s2  }
0x8d: {  	s2 =	sadd.s32 s2, s14  }
0x8e: {  	[smem:$0x3FC2] =	sst s2  }
0x8f: {  	_ = 	snop  }
0x90: {  	s2 =	sld [smem:$0x3FD0];
	_ =	sdelay $0x2  }
0x91: {  	s4 =	simm.s32 $0xA;
	s5 =	simm.s32 $0x10;
	s15 =	sld [smem:$0x3FC7]  }
0x92: {  	[smem:s5], [sflag:s4] =	dma.local [hbm:s2], $0x1  }
0x93: {  	_ =	swait.eq [sflag:s4], $0x1  }
0x94: {  	[sflag:s4] =	ssyncset.done $0x0  }
0x95: {  	[sflag:s4] =	ssyncadd.s32 $0xFFFFFFFF  }
0x96: {  	s16 =	sld [smem:$0x10];
	(tm) =	ssettm $0x1  }
0x97: {  	s17 =	sld [smem:$0x3FFB];
	_ =	sdelay $0x3  }
0x98: {  	_ =	strace s17  }
0x99: {  	s4 =	sld [smem:$0x3FFC];
	_ =	sdelay $0x3  }
0x9a: {  	_ =	strace s4  }
0x9b: {  	s4 =	sld [smem:$0x3FFD];
	_ =	sdelay $0x3  }
0x9c: {  	_ =	strace s4  }
0x9d: {  	_ =	strace $0x8FFFFFFF  }
0x9e: {  	s18 =	sld [smem:$0x3FDB];
	_ =	sdelay $0x1  }
0x9f: {  	s19 =	simm.s32 $_scs_section_size  }
0xa0: {  	s6 =	simm.s32 $_size__tile_overlayer_lowered;
	s7 =	simm.s32 $_tile_overlayer_lowered  }
0xa1: {  	s22 =	simm.s32 $0x1BFF;
	s21 =	sshll.u32 s7, $0x1;
	s4 =	sadd.s32 s19, s18  }
0xa2: {  	s8 =	simm.s32 $0x0;
	s20 =	sshll.u32 s6, $0x1;
	s6 =	sadd.s32 s21, s4  }
0xa3: {  	[timem:s8], [sflag:s22] =	dma.local [hbm:s6], s20  }
0xa4: {  	_ =	swait.ge [sflag:s22], s20  }
0xa5: {  	s5 =	ssub.s32 $0x0, s20;
	[sflag:s22] =	ssyncset.done $0x0  }
0xa6: {  	[sflag:s22] =	ssyncadd.s32 s5;
	_ =	sdelay $0x1  }
0xa7: {  	s23 =	simm.s32 $0x1B8B  }
0xa8: {  	_ =	swait.ge [sflag:s23], $0x1  }
0xa9: {  	[sflag:s23] =	ssyncset.done $0x0  }
0xaa: {  	s25 =	simm.s32 $0x1B8E;
	s24 =	sld [smem:$0x3FFE];
	[sflag:s23] =	ssyncadd.s32 $0xFFFFFFFF  }
0xab: {  	s26 =	simm.s32 $execute0_lowered;
	[smem:$0x3FD2] =	sst s25  }
0xac: {  	s6 =	sshll.u32 s26, $0x1;
	_ =	strace $0x80000046;
	[dreg:$0x1] =	wrdreg $0xFFFFFFFF  }
0xad: {  	s28 =	simm.s32 $_size_execute0_lowered;
	s4 =	sadd.s32 s4, s6;
	[dreg:$0x0] =	wrdreg $0x0  }
0xae: {  	s6 =	sshll.u32 s28, $0x1;
	[dreg:$0x2] =	wrdreg s4  }
0xaf: {  	[dreg:$0x3] =	wrdreg s6  }
0xb0: {  	[dreg:$0x4] =	wrdreg $0xC0  }
0xb1: {  	_ =	task [dreg:s8], $0x5FFFF  }
0xb2: {  	[dreg:$0x1] =	wrdreg $0xFFFFFFFF  }
0xb3: {  	[dreg:$0x0] =	wrdreg $0x60  }
0xb4: {  	[dreg:$0x2] =	wrdreg s15  }
0xb5: {  	[dreg:$0x3] =	wrdreg s16  }
0xb6: {  	[dreg:$0x4] =	wrdreg s24  }
0xb7: {  	[dreg:$0x5] =	wrdreg $0x9  }
0xb8: {  	_ =	task.clear_ibuf [dreg:s8], $0x6FFFF;
	_ =	strace $0x90000046  }
0xb9: {  	s29 =	simm.s32 $0x9;
	_ =	strace $0x8000004A  }
0xba: {  	_ =	swait.ge [sflag:s29], $0x1  }
0xbb: {  	[sflag:s29] =	ssyncadd.s32 $0xFFFFFFFF  }
0xbc: {  	_ =	strace $0x9000004A  }
0xbd: {  	_ =	sfence  }
0xbe: {  	s30 =	sld [smem:$0x0];
	_ =	sdelay $0x2  }
0xbf: {  	s31 =	sshll.u32 s1, $0xD;
	s1 =	sshrl.u32 s1, $0x2  }
0xc0: {  	s3 =	sand.u32 $0x4000, s31;
	s1 =	sadd.s32 s1, s30  }
0xc1: {  	s0 =	sor.u32 s3, s0;
	s1 =	sshll.u32 s1, $0x11  }
0xc2: {  	s0 =	sor.u32 s1, s0  }
0xc3: {  	s0 =	sadd.s32 $0x8F2B, s0  }
0xc4: {  	[sflag:s0] =	ssyncadd.remote.s32 $0x1  }
0xc5: {  	_ =	sfence.sel $0xFFFF  }
0xc6: {  	[dreg:$0x0] =	wrdreg $0xFFFFFFFF;
	(pc) =	sbr.abs _section_cstart, $3  }
0xc7: {  	[dreg:$0x1] =	wrdreg $0xFFFFFFFF  }
0xc8: {  	_ =	task.clear_ibuf [dreg:s8], $0x2FFFF;
	_ =	strace $0x9FFFFFFF  }
0xc9: {  	(tm) =	ssettm $0x7FFFFFFF  }
tec
execute0_lowered:
.L_overlay_start_1:
0x0: {  	(tag) =	ssettag $0x1  }
0x1: {  	s12 =	rddreg [dreg:$0x0]  }
0x2: {  	s1 =	srdreg.scid;
	s13 =	rddreg [dreg:$0x1]  }
0x3: {  	s0 =	stileid.u32;
	s6 =	rddreg [dreg:$0x2]  }
0x4: {  	s2 =	simm.s32 $0x0;
	s3 =	sand.u32 $0x1, s1;
	s1 =	rddreg [dreg:$0x3]  }
0x5: {  	s18 =	sshll.u32 s0, $0x1;
	[smem:$0x7FF] =	sst s2  }
0x6: {  	s5 =	sor.u32 s3, s18;
	_ =	strace $0x80000047;
	s21 =	ssub.s32 $0x2, s3  }
0x7: {  	s4 =	smul.u32 $0x34, s5;
	s14 =	sshll.u32 s5, $0xA;
	s28 =	sshrl.u32 s21, $0x1  }
0x8: {  	s18 =	simm.s32 $0x2;
	s15 =	sadd.s32 s14, s6;
	s16 =	ssub.s32 s21, s28  }
0x9: {  	s13 =	sadd.s32 s13, s14;
	s21 =	simm.s32 $0x0;
	s7 =	sshrl.u32 s4, $0x8  }
0xa: {  	s8 =	sadd.s32 $0x34, s4;
	s22 =	sadd.s32 $0x68, s4;
	s9 =	sadd.s32 $0x9C, s4  }
0xb: {  	s4 =	sadd.s32 $0xD0, s4;
	s7 =	smul.u32 $0x5, s7;
	s8 =	sshrl.u32 s8, $0x8  }
0xc: {  	s14 =	sadd.s32 $0x1800, s15;
	s6 =	sshrl.u32 s22, $0x8;
	s20 =	smul.u32 $0x5, s8  }
0xd: {  	s15 =	smax.u32 s16, $0x1;
	s9 =	sshrl.u32 s9, $0x8;
	s6 =	smul.u32 $0x5, s6  }
0xe: {  	s4 =	sshrl.u32 s4, $0x8;
	s9 =	smul.u32 $0x5, s9;
	s7 =	ssub.s32 s5, s7  }
0xf: {  	s16 =	simm.s32 $0x9C80;
	s10 =	smul.u32 $0x5, s4;
	s19 =	sand.u32 $0xFF, s7  }
0x10: {  	s7 =	ssub.s32 s5, s20;
	s6 =	ssub.s32 s5, s6;
	s23 =	ssub.s32 s5, s9  }
0x11: {  	s24 =	ssub.s32 s5, s10;
	s20 =	simm.s32 $0x3;
	s7 =	sadd.s32 $0x1, s7  }
0x12: {  	s3 =	smul.u32 $0x1F40, s19;
	s6 =	sadd.s32 $0x2, s6;
	s7 =	sand.u32 $0xFF, s7  }
0x13: {  	s6 =	sand.u32 $0xFF, s6;
	s4 =	smul.u32 $0x1F40, s7;
	s7 =	sadd.s32 $0x3, s23  }
0x14: {  	s26 =	sadd.s32 $0x4, s24;
	s5 =	smul.u32 $0x1F40, s6;
	s25 =	sand.u32 $0xFF, s7  }
0x15: {  	s19 =	simm.s32 $0xBC80;
	s7 =	sand.u32 $0xFF, s26;
	s6 =	smul.u32 $0x1F40, s25  }
0x16: {  	s29 =	sshrl.u32 s3, $0x3;
	s11 =	sshrl.u32 s4, $0x3;
	s7 =	smul.u32 $0x1F40, s7  }
0x17: {  	s8 =	sadd.s32 s12, s29;
	s30 =	sshrl.u32 s5, $0x3;
	s9 =	sadd.s32 s12, s11  }
0x18: {  	s10 =	sadd.s32 s12, s30;
	s31 =	sshrl.u32 s6, $0x3;
	s17 =	sshrl.u32 s7, $0x3  }
0x19: {  	s11 =	sadd.s32 s12, s31;
	s12 =	sadd.s32 s12, s17;
	s17 =	simm.s32 $0x1  }
.LBB2_1:
0x1a: {  	[tilespmem:s3], [sflag:$0x1] =	stream.linear.gather [hbm4b:s8+s2], $0x1F40, $0x38;
	[tilespmem:$0xDC80] =	vst v63  }
0x1b: {  	_ = 	snop  }
0x1c: {  	[tilespmem:s4], [sflag:$0x1] =	stream.linear.gather [hbm4b:s9+s2], $0x1F40, $0x38;
	[tilespmem:$0xDC80] =	vst v63  }
0x1d: {  	_ = 	snop  }
0x1e: {  	[tilespmem:s5], [sflag:$0x1] =	stream.linear.gather [hbm4b:s10+s2], $0x1F40, $0x38;
	[tilespmem:$0xDC80] =	vst v63  }
0x1f: {  	_ = 	snop  }
0x20: {  	[tilespmem:s6], [sflag:$0x1] =	stream.linear.gather [hbm4b:s11+s2], $0x1F40, $0x38;
	[tilespmem:$0xDC80] =	vst v63  }
0x21: {  	_ = 	snop  }
0x22: {  	[tilespmem:s7], [sflag:$0x1] =	stream.linear.gather [hbm4b:s12+s2], $0x1F40, $0x38;
	[tilespmem:$0xDC80] =	vst v63  }
0x23: {  	_ = 	snop  }
0x24: {  	[tilespmem:s16], [sflag:$0x2] =	stream.linear.gather [hbm4b:s13+s2], $0x2000, $0x38;
	[tilespmem:$0xDC80] =	vst v63  }
0x25: {  	_ =	strace $0x80000048  }
0x26: {  	_ =	swait.ge [sflag:s17], $0x1F40  }
0x27: {  	[sflag:s17] =	ssyncset.done $0x0  }
0x28: {  	[sflag:s17] =	ssyncadd.s32 $0xFFFFE0C0  }
0x29: {  	_ =	swait.ge [sflag:s17], $0x1F40  }
0x2a: {  	[sflag:s17] =	ssyncset.done $0x0  }
0x2b: {  	[sflag:s17] =	ssyncadd.s32 $0xFFFFE0C0  }
0x2c: {  	_ =	swait.ge [sflag:s17], $0x1F40  }
0x2d: {  	[sflag:s17] =	ssyncset.done $0x0  }
0x2e: {  	[sflag:s17] =	ssyncadd.s32 $0xFFFFE0C0  }
0x2f: {  	_ =	swait.ge [sflag:s17], $0x1F40  }
0x30: {  	[sflag:s17] =	ssyncset.done $0x0  }
0x31: {  	[sflag:s17] =	ssyncadd.s32 $0xFFFFE0C0  }
0x32: {  	_ =	swait.ge [sflag:s17], $0x1F40  }
0x33: {  	[sflag:s17] =	ssyncset.done $0x0  }
0x34: {  	[sflag:s17] =	ssyncadd.s32 $0xFFFFE0C0  }
0x35: {  	_ =	swait.ge [sflag:s18], $0x2000  }
0x36: {  	[sflag:s18] =	ssyncset.done $0x0  }
0x37: {  	[sflag:s18] =	ssyncadd.s32 $0xFFFFE000  }
0x38: {  	_ =	strace $0x90000048  }
0x39: {  	s22 =	simm.s32 $0x0;
	_ =	strace $0x80000049  }
0x3a: {  	v0 =	vld [tilespmem:s22+$0x9C80];
	_ =	sdelay $0x5  }
0x3b: {  	v1 =	vld [tilespmem:s22+$0x9C90];
	_ =	sdelay $0x1  }
0x3c: {  	v0 =	vld.idx.msk [tilespmem:v0+s2+$0x0], $0xffff;
	_ =	sdelay $0x4  }
0x3d: {  	[tilespmem:s22+$0xBC80] =	vst v0;
	v0 =	vld [tilespmem:s22+$0x9CA0]  }
0x3e: {  	v1 =	vld.idx.msk [tilespmem:v1+s2+$0x0], $0xffff;
	_ =	sdelay $0x4  }
0x3f: {  	[tilespmem:s22+$0xBC90] =	vst v1;
	v1 =	vld [tilespmem:s22+$0x9CB0];
	_ =	sdelay $0x1  }
0x40: {  	v0 =	vld.idx.msk [tilespmem:v0+s2+$0x0], $0xffff;
	_ =	sdelay $0x4  }
0x41: {  	[tilespmem:s22+$0xBCA0] =	vst v0;
	v0 =	vld [tilespmem:s22+$0x9CC0]  }
0x42: {  	v1 =	vld.idx.msk [tilespmem:v1+s2+$0x0], $0xffff;
	_ =	sdelay $0x4  }
0x43: {  	[tilespmem:s22+$0xBCB0] =	vst v1;
	v1 =	vld [tilespmem:s22+$0x9CD0];
	_ =	sdelay $0x1  }
0x44: {  	v0 =	vld.idx.msk [tilespmem:v0+s2+$0x0], $0xffff;
	_ =	sdelay $0x4  }
0x45: {  	v2 =	vld [tilespmem:s22+$0x9CE0];
	[tilespmem:s22+$0xBCC0] =	vst v0  }
0x46: {  	v0 =	vld.idx.msk [tilespmem:v1+s2+$0x0], $0xffff;
	_ =	sdelay $0x4  }
0x47: {  	[tilespmem:s22+$0xBCD0] =	vst v0;
	v0 =	vld [tilespmem:s22+$0x9CF0];
	_ =	sdelay $0x1  }
0x48: {  	v1 =	vld.idx.msk [tilespmem:v2+s2+$0x0], $0xffff;
	_ =	sdelay $0x3  }
0x49: {  	s24 =	simm.s32 $0x80;
	s23 =	simm.s32 $0x400  }
.LBB2_2:
0x4a: {  	p0 =	sne.s32 s23, $0x7E00;
	v2 =	vld [tilespmem:s24+$0x9C80];
	[tilespmem:s22+$0xBCE0] =	vst v1  }
0x4b: {  	v0 =	vld.idx.msk [tilespmem:v0+s2+$0x0], $0xffff;
	_ =	sdelay $0x5  }
0x4c: {  	v1 =	vld [tilespmem:s24+$0x9C90];
	[tilespmem:s22+$0xBCF0] =	vst v0;
	s22 =	smov.u32 s24  }
0x4d: {  	v0 =	vld.idx.msk [tilespmem:v2+s2+$0x0], $0xffff;
	_ =	sdelay $0x5  }
0x4e: {  	[tilespmem:s22+$0xBC80] =	vst v0;
	v0 =	vld [tilespmem:s22+$0x9CA0]  }
0x4f: {  	v1 =	vld.idx.msk [tilespmem:v1+s2+$0x0], $0xffff;
	_ =	sdelay $0x5  }
0x50: {  	[tilespmem:s22+$0xBC90] =	vst v1;
	v1 =	vld [tilespmem:s22+$0x9CB0]  }
0x51: {  	v0 =	vld.idx.msk [tilespmem:v0+s2+$0x0], $0xffff;
	_ =	sdelay $0x5  }
0x52: {  	[tilespmem:s22+$0xBCA0] =	vst v0;
	v0 =	vld [tilespmem:s22+$0x9CC0]  }
0x53: {  	v1 =	vld.idx.msk [tilespmem:v1+s2+$0x0], $0xffff;
	_ =	sdelay $0x5  }
0x54: {  	[tilespmem:s22+$0xBCB0] =	vst v1;
	v1 =	vld [tilespmem:s22+$0x9CD0]  }
0x55: {  	v0 =	vld.idx.msk [tilespmem:v0+s2+$0x0], $0xffff;
	_ =	sdelay $0x5  }
0x56: {  	[tilespmem:s22+$0xBCC0] =	vst v0;
	v2 =	vld [tilespmem:s22+$0x9CE0]  }
0x57: {  	v0 =	vld.idx.msk [tilespmem:v1+s2+$0x0], $0xffff;
	_ =	sdelay $0x5  }
0x58: {  	[tilespmem:s22+$0xBCD0] =	vst v0;
	v0 =	vld [tilespmem:s22+$0x9CF0]  }
0x59: {  	v1 =	vld.idx.msk [tilespmem:v2+s2+$0x0], $0xffff  }
.Ltmp0:
0x5a: {  	(pc) =	sbr.rel @p0 .LBB2_2-.Ltmp0, $2  }
0x5b: {  	_ =	sdelay $0x2  }
0x5c: {  	s24 =	sshra.s32 s23, $0x2;
	s23 =	sadd.s32 $0x200, s23  }
0x5d: {  	_ =	sdelay $0x1  }
0x5e: {  	v2 =	vld [tilespmem:s24+$0x9C80]  }
0x5f: {  	[tilespmem:s22+$0xBCE0] =	vst v1  }
0x60: {  	v0 =	vld.idx.msk [tilespmem:v0+s2+$0x0], $0xffff;
	_ =	sdelay $0x3  }
0x61: {  	v1 =	vld [tilespmem:s24+$0x9C90]  }
0x62: {  	[tilespmem:s22+$0xBCF0] =	vst v0  }
0x63: {  	v0 =	vld.idx.msk [tilespmem:v2+s2+$0x0], $0xffff;
	_ =	sdelay $0x3  }
0x64: {  	v58 =	vld [tilespmem:s24+$0x9CA0]  }
0x65: {  	[tilespmem:s24+$0xBC80] =	vst v0  }
0x66: {  	v1 =	vld.idx.msk [tilespmem:v1+s2+$0x0], $0xffff;
	_ =	sdelay $0x3  }
0x67: {  	v59 =	vld [tilespmem:s24+$0x9CB0]  }
0x68: {  	[tilespmem:s24+$0xBC90] =	vst v1  }
0x69: {  	v0 =	vld.idx.msk [tilespmem:v58+s2+$0x0], $0xffff;
	_ =	sdelay $0x3  }
0x6a: {  	v60 =	vld [tilespmem:s24+$0x9CC0]  }
0x6b: {  	[tilespmem:s24+$0xBCA0] =	vst v0  }
0x6c: {  	v1 =	vld.idx.msk [tilespmem:v59+s2+$0x0], $0xffff;
	_ =	sdelay $0x3  }
0x6d: {  	v61 =	vld [tilespmem:s24+$0x9CD0]  }
0x6e: {  	[tilespmem:s24+$0xBCB0] =	vst v1  }
0x6f: {  	v0 =	vld.idx.msk [tilespmem:v60+s2+$0x0], $0xffff;
	_ =	sdelay $0x3  }
0x70: {  	v62 =	vld [tilespmem:s24+$0x9CE0]  }
0x71: {  	[tilespmem:s24+$0xBCC0] =	vst v0  }
0x72: {  	v1 =	vld.idx.msk [tilespmem:v61+s2+$0x0], $0xffff;
	_ =	sdelay $0x3  }
0x73: {  	v63 =	vld [tilespmem:s24+$0x9CF0]  }
0x74: {  	[tilespmem:s24+$0xBCD0] =	vst v1  }
0x75: {  	v0 =	vld.idx.msk [tilespmem:v62+s2+$0x0], $0xffff;
	_ =	sdelay $0x4  }
0x76: {  	[tilespmem:s24+$0xBCE0] =	vst v0  }
0x77: {  	v0 =	vld.idx.msk [tilespmem:v63+s2+$0x0], $0xffff;
	_ =	sdelay $0x3  }
0x78: {  	s21 =	sadd.s32 $0x1, s21  }
0x79: {  	p0 =	sne.s32 s21, s15;
	[tilespmem:s24+$0xBCF0] =	vst v0  }
.Ltmp1:
0x7a: {  	_ =	strace $0x90000049;
	(pc) =	sbr.rel @p0 .LBB2_1-.Ltmp1, $4  }
0x7b: {  	[hbm4b:s14+s2] =	stream.linear.scatter [tilespmem:s19], [sflag:$0x3], $0x2000, $0x38;
	[tilespmem:$0xDC80] =	vst v63  }
0x7c: {  	_ =	swait.ge [sflag:s20], $0x2000  }
0x7d: {  	[sflag:s20] =	ssyncset.done $0x0  }
0x7e: {  	[sflag:s20] =	ssyncadd.s32 $0xFFFFE000  }
0x7f: {  	_ =	sfence.sel $0x180000  }
0x80: {  	[bflag:$0x0] =	sbarrier.arrive $0xFFFF  }
0x81: {  	p0 =	sne.s32 s0, $0x0;
	_ =	strace $0x90000047  }
0x82: {  	s0 =	sadd.s32 @!p0 $0x100000, s1;
	[bflag:$0x2] =	sbarrier.arrive $0xFFFF  }
0x83: {  	[sflag:s0] =	ssyncadd.tile.s32 @!p0 $0x1;
	_ =	shalt  }
.Lfunc_end2:
_tile_overlayer_lowered:
.L_overlay_start_2:
0x84: {  	(tag) =	ssettag $0x2  }
0x85: {  	s0 =	rddreg [dreg:$0x0];
	s2 =	stileid.u32  }
0x86: {  	s1 =	rddreg [dreg:$0x1];
	p0 =	sne.s32 s2, $0x0  }
0x87: {  	s3 =	rddreg [dreg:$0x2];
	[bflag:$0x3] =	sbarrier.arrive $0xFFFF;
	s2 =	simm.s32 @!p0 $0x1C03  }
0x88: {  	[timem:s3], [sflag:s2] =	dma.local @!p0 [hbm:s0], s1  }
0x89: {  	s0 =	simm.s32 @!p0 $0x3  }
0x8a: {  	_ =	swait.ge @!p0 [sflag:s0], s1  }
0x8b: {  	s1 =	ssub.s32 @!p0 $0x0, s1;
	[sflag:s0] =	ssyncset.done @!p0 $0x0  }
0x8c: {  	[sflag:s0] =	ssyncadd.s32 @!p0 s1  }
0x8d: {  	[bflag:$0x3] =	sbarrier.arrive $0xFFFF  }
0x8e: {  	_ =	shalt  }

// kernel: kernel.8.cloned.1.call-start
scs
__scs_entry_jumppad:
0x0: {  	(pc) =	sbr.rel $0x88, $3  }
0x1: {  	(tag) =	ssettag $0x0;
	lr =	simm.s32 $0x1  }
0x2: {  	[smem:$0x3F9B] =	sst lr;
	_ =	strace $0xD0000000  }
0x3: {  	_ = 	snop  }
0x4: {  	_ = 	snop  }
0x5: {  	_ = 	snop  }
0x6: {  	_ = 	snop  }
0x7: {  	_ = 	snop  }
__scs_overlays_trampoline_lowered:
0x8: {  	[smem:$0x3FAA] =	sst s0  }
0x9: {  	[smem:$0x3FAB] =	sst s1  }
0xa: {  	[smem:$0x3FAC] =	sst s2  }
0xb: {  	[smem:$0x3FAD] =	sst s3  }
0xc: {  	[smem:$0x3FAE] =	sst s4  }
0xd: {  	[smem:$0x3FAF] =	sst s5  }
0xe: {  	[smem:$0x3FB0] =	sst s6  }
0xf: {  	[smem:$0x3FB1] =	sst s7  }
0x10: {  	[smem:$0x3FB2] =	sst s8  }
0x11: {  	[smem:$0x3FB3] =	sst s9;
	s0 =	simm.s32 @!p0 $0x0  }
0x12: {  	s1 =	sld [smem:$0x3F99];
	s0 =	simm.s32 @p0 $0x1  }
0x13: {  	[smem:$0x3FB4] =	sst s0;
	s0 =	simm.s32 @!p1 $0x0  }
0x14: {  	s2 =	sld [smem:$0x3F98];
	s0 =	simm.s32 @p1 $0x1  }
0x15: {  	[smem:$0x3FB5] =	sst s0;
	s0 =	simm.s32 @!p2 $0x0  }
0x16: {  	s3 =	sld [smem:$0x3FDB];
	s0 =	simm.s32 @p2 $0x1  }
0x17: {  	s4 =	simm.s32 $0x1BF5;
	[smem:$0x3FB7] =	sst s0  }
0x18: {  	s0 =	sld [smem:$0x3F9A];
	_ =	swait.ge [sflag:s4], $0x0  }
0x19: {  	s7 =	sld [smem:$0x3F9B]  }
0x1a: {  	s8 =	sadd.s32 $0xFFFFE003, lr  }
0x1b: {  	s9 =	sadd.s32 $0xFFFFFEF7, lr;
	s5 =	simm.s32 $0xFFFFFFFF;
	p2 =	slt.u32 s8, $0xFFFFF086  }
0x1c: {  	p1 =	slt.u32 s9, $0xF7A;
	s5 =	simm.s32 @!p2 $0x0  }
0x1d: {  	s5 =	simm.s32 @p1 $0x1;
	p0 =	seq.s32 s7, s2  }
0x1e: {  	s7 =	smul.u32 @!p0 $0xF7A, s2;
	p2 =	seq.s32 @!p0 s5, $0x0  }
0x1f: {  	s9 =	smul.u32 $0xF7A, s1;
	s8 =	simm.s32 @!p0 $0x1BF5;
	p2 =	por !p2, p0  }
0x20: {  	[sflag:s8] =	ssyncset.s32 @!p0 $0xFFFFF086;
	s6 =	sadd.s32 @!p0 s3, s7;
	s7 =	simm.s32 @!p0 $0x108  }
0x21: {  	s3 =	sadd.s32 s3, s9;
	s6 =	sadd.s32 @!p0 $0x88, s6;
	s7 =	simm.s32 @p2 $0x1082  }
0x22: {  	[simem:s7], [sflag:s8] =	dma.local @!p0 [hbm:s6], $0xF7A  }
0x23: {  	s9 =	sor.u32 $0xD0000000, s2;
	s6 =	simm.s32 $0x108;
	_ =	swait.ge @!p0 [sflag:s8], $0x0  }
0x24: {  	s3 =	sadd.s32 $0x88, s3;
	s6 =	simm.s32 @!p1 $0x1082;
	[sflag:s4] =	ssyncset.s32 $0xFFFFF086  }
0x25: {  	[simem:s6], [sflag:s4] =	dma.local [hbm:s3], $0xF7A  }
0x26: {  	[smem:$0x3F9B] =	sst s1;
	(tag) =	ssettag s2;
	_ =	strace s9  }
0x27: {  	s1 =	sld [smem:$0x3FAB]  }
0x28: {  	s2 =	sld [smem:$0x3FAC]  }
0x29: {  	s4 =	sld [smem:$0x3FAE]  }
0x2a: {  	p0 =	seq.s32 s5, $0x0;
	s5 =	sld [smem:$0x3FAF]  }
0x2b: {  	s6 =	sld [smem:$0x3FB0]  }
0x2c: {  	s7 =	sld [smem:$0x3FB1]  }
0x2d: {  	s3 =	simm.s32 $0x108;
	s8 =	sld [smem:$0x3FB2]  }
0x2e: {  	s3 =	simm.s32 @!p0 $0x1082;
	s9 =	sld [smem:$0x3FB3]  }
0x2f: {  	lr =	sadd.s32 s0, s3;
	s0 =	sld [smem:$0x3FAA]  }
0x30: {  	s3 =	sld [smem:$0x3FAD]  }
0x31: {  	[smem:$0x3FB6] =	sst s10  }
0x32: {  	s10 =	sld [smem:$0x3FB4];
	_ =	sdelay $0x3  }
0x33: {  	p0 =	seq.s32 s10, $0x1;
	s10 =	sld [smem:$0x3FB6];
	_ =	sdelay $0x3  }
0x34: {  	[smem:$0x3FB6] =	sst s10  }
0x35: {  	s10 =	sld [smem:$0x3FB5];
	_ =	sdelay $0x3  }
0x36: {  	p1 =	seq.s32 s10, $0x1;
	s10 =	sld [smem:$0x3FB6];
	_ =	sdelay $0x3  }
0x37: {  	[smem:$0x3FB6] =	sst s10  }
0x38: {  	s10 =	sld [smem:$0x3FB7]  }
0x39: {  	_ = 	snop;
	(pc) =	sbr.ind lr, $3  }
0x3a: {  	_ = 	snop  }
0x3b: {  	_ = 	snop  }
0x3c: {  	p2 =	seq.s32 s10, $0x1;
	s10 =	sld [smem:$0x3FB6]  }
0x3d: {  	_ =	shalt  }
0x3e: {  	_ =	shalt  }
0x3f: {  	_ =	shalt  }
0x40: {  	_ =	shalt  }
0x41: {  	_ =	shalt  }
0x42: {  	_ =	shalt  }
0x43: {  	_ =	shalt  }
0x44: {  	_ =	shalt  }
0x45: {  	_ =	shalt  }
0x46: {  	_ =	shalt  }
0x47: {  	_ =	shalt  }
0x48: {  	_ =	shalt  }
0x49: {  	_ =	shalt  }
0x4a: {  	_ =	shalt  }
0x4b: {  	_ =	shalt  }
0x4c: {  	_ =	shalt  }
0x4d: {  	_ =	shalt  }
0x4e: {  	_ =	shalt  }
0x4f: {  	_ =	shalt  }
0x50: {  	_ =	shalt  }
0x51: {  	_ =	shalt  }
0x52: {  	_ =	shalt  }
0x53: {  	_ =	shalt  }
0x54: {  	_ =	shalt  }
0x55: {  	_ =	shalt  }
0x56: {  	_ =	shalt  }
0x57: {  	_ =	shalt  }
0x58: {  	_ =	shalt  }
0x59: {  	_ =	shalt  }
0x5a: {  	_ =	shalt  }
0x5b: {  	_ =	shalt  }
0x5c: {  	_ =	shalt  }
0x5d: {  	_ =	shalt  }
0x5e: {  	_ =	shalt  }
0x5f: {  	_ =	shalt  }
0x60: {  	_ =	shalt  }
0x61: {  	_ =	shalt  }
0x62: {  	_ =	shalt  }
0x63: {  	_ =	shalt  }
0x64: {  	_ =	shalt  }
0x65: {  	_ =	shalt  }
0x66: {  	_ =	shalt  }
0x67: {  	_ =	shalt  }
0x68: {  	_ =	shalt  }
0x69: {  	_ =	shalt  }
0x6a: {  	_ =	shalt  }
0x6b: {  	_ =	shalt  }
0x6c: {  	_ =	shalt  }
0x6d: {  	_ =	shalt  }
0x6e: {  	_ =	shalt  }
0x6f: {  	_ =	shalt  }
0x70: {  	_ =	shalt  }
0x71: {  	_ =	shalt  }
0x72: {  	_ =	shalt  }
0x73: {  	_ =	shalt  }
0x74: {  	_ =	shalt  }
0x75: {  	_ =	shalt  }
0x76: {  	_ =	shalt  }
0x77: {  	_ =	shalt  }
0x78: {  	_ =	shalt  }
0x79: {  	_ =	shalt  }
0x7a: {  	_ =	shalt  }
0x7b: {  	_ =	shalt  }
0x7c: {  	_ =	shalt  }
0x7d: {  	_ =	shalt  }
0x7e: {  	_ =	shalt  }
0x7f: {  	_ =	shalt  }
0x80: {  	_ =	shalt  }
0x81: {  	_ =	shalt  }
0x82: {  	_ =	shalt  }
0x83: {  	_ =	shalt  }
0x84: {  	_ =	shalt  }
0x85: {  	_ =	shalt  }
0x86: {  	_ =	shalt  }
0x87: {  	_ =	shalt  }
.Lfunc_end0:
.L_simem_size_0:
called_computation.1_lowered:
.L_overlay_start_0:
0x88: {  	s2 =	sld [smem:$0x3FD9]  }
0x89: {  	s3 =	sld [smem:$0x3FFE];
	_ =	sdelay $0x1  }
0x8a: {  	s1 =	srdreg.scid  }
0x8b: {  	s0 =	sand.u32 $0x1, s1  }
0x8c: {  	s14 =	sshll.u32 s0, $0xA;
	s2 =	sadd.s32 s3, s2  }
0x8d: {  	s2 =	sadd.s32 s2, s14  }
0x8e: {  	[smem:$0x3FC2] =	sst s2  }
0x8f: {  	_ = 	snop  }
0x90: {  	s2 =	sld [smem:$0x3FD0];
	_ =	sdelay $0x2  }
0x91: {  	s4 =	simm.s32 $0xA;
	s5 =	simm.s32 $0x10;
	s15 =	sld [smem:$0x3FC8]  }
0x92: {  	[smem:s5], [sflag:s4] =	dma.local [hbm:s2], $0x1  }
0x93: {  	_ =	swait.eq [sflag:s4], $0x1  }
0x94: {  	[sflag:s4] =	ssyncset.done $0x0  }
0x95: {  	s16 =	sld [smem:$0x10];
	[sflag:s4] =	ssyncadd.s32 $0xFFFFFFFF  }
0x96: {  	s17 =	sld [smem:$0x11];
	(tm) =	ssettm $0x1  }
0x97: {  	s18 =	sld [smem:$0x3FFB];
	_ =	sdelay $0x3  }
0x98: {  	_ =	strace s18  }
0x99: {  	s5 =	sld [smem:$0x3FFC];
	_ =	sdelay $0x3  }
0x9a: {  	_ =	strace s5  }
0x9b: {  	s5 =	sld [smem:$0x3FFD];
	_ =	sdelay $0x3  }
0x9c: {  	_ =	strace s5  }
0x9d: {  	_ =	strace $0x8FFFFFFF  }
0x9e: {  	s19 =	sld [smem:$0x3FDB];
	_ =	sdelay $0x1  }
0x9f: {  	s6 =	simm.s32 $_scs_section_size  }
0xa0: {  	s7 =	simm.s32 $_size__tile_overlayer_lowered;
	s8 =	simm.s32 $_tile_overlayer_lowered  }
0xa1: {  	s22 =	simm.s32 $0x1BFF;
	s21 =	sshll.u32 s8, $0x1;
	s5 =	sadd.s32 s6, s19  }
0xa2: {  	s9 =	simm.s32 $0x0;
	s20 =	sshll.u32 s7, $0x1;
	s7 =	sadd.s32 s21, s5  }
0xa3: {  	[timem:s9], [sflag:s22] =	dma.local [hbm:s7], s20  }
0xa4: {  	_ =	swait.ge [sflag:s22], s20  }
0xa5: {  	s6 =	ssub.s32 $0x0, s20;
	[sflag:s22] =	ssyncset.done $0x0  }
0xa6: {  	[sflag:s22] =	ssyncadd.s32 s6;
	_ =	sdelay $0x1  }
0xa7: {  	s23 =	simm.s32 $0x1B8B  }
0xa8: {  	_ =	swait.ge [sflag:s23], $0x1  }
0xa9: {  	[sflag:s23] =	ssyncset.done $0x0  }
0xaa: {  	s25 =	simm.s32 $0x1B8E;
	s24 =	sld [smem:$0x3FFE];
	[sflag:s23] =	ssyncadd.s32 $0xFFFFFFFF  }
0xab: {  	s26 =	simm.s32 $execute0_lowered;
	[smem:$0x3FD2] =	sst s25  }
0xac: {  	s7 =	sshll.u32 s26, $0x1;
	_ =	strace $0x8000004B;
	[dreg:$0x1] =	wrdreg $0xFFFFFFFF  }
0xad: {  	s28 =	simm.s32 $_size_execute0_lowered;
	s5 =	sadd.s32 s5, s7;
	[dreg:$0x0] =	wrdreg $0x0  }
0xae: {  	s7 =	sshll.u32 s28, $0x1;
	[dreg:$0x2] =	wrdreg s5  }
0xaf: {  	[dreg:$0x3] =	wrdreg s7  }
0xb0: {  	[dreg:$0x4] =	wrdreg $0xC0  }
0xb1: {  	_ =	task [dreg:s9], $0x5FFFF  }
0xb2: {  	[dreg:$0x1] =	wrdreg $0xFFFFFFFF  }
0xb3: {  	[dreg:$0x0] =	wrdreg $0x60  }
0xb4: {  	[dreg:$0x2] =	wrdreg s24  }
0xb5: {  	[dreg:$0x3] =	wrdreg s15  }
0xb6: {  	[dreg:$0x4] =	wrdreg s16  }
0xb7: {  	[dreg:$0x5] =	wrdreg s17  }
0xb8: {  	[dreg:$0x6] =	wrdreg $0x9  }
0xb9: {  	_ =	task.clear_ibuf [dreg:s9], $0x7FFFF;
	_ =	strace $0x9000004B  }
0xba: {  	s29 =	simm.s32 $0x9;
	_ =	strace $0x80000050  }
0xbb: {  	_ =	swait.ge [sflag:s29], $0x1  }
0xbc: {  	[sflag:s29] =	ssyncadd.s32 $0xFFFFFFFF  }
0xbd: {  	_ =	strace $0x90000050  }
0xbe: {  	_ =	sfence  }
0xbf: {  	s30 =	sld [smem:$0x0];
	_ =	sdelay $0x2  }
0xc0: {  	s31 =	sshll.u32 s1, $0xD;
	s1 =	sshrl.u32 s1, $0x2  }
0xc1: {  	s3 =	sand.u32 $0x4000, s31;
	s1 =	sadd.s32 s1, s30  }
0xc2: {  	s0 =	sor.u32 s3, s0;
	s1 =	sshll.u32 s1, $0x11  }
0xc3: {  	s0 =	sor.u32 s1, s0  }
0xc4: {  	s0 =	sadd.s32 $0x8F2B, s0  }
0xc5: {  	[sflag:s0] =	ssyncadd.remote.s32 $0x1  }
0xc6: {  	_ =	sfence.sel $0xFFFF  }
0xc7: {  	[dreg:$0x0] =	wrdreg $0xFFFFFFFF;
	(pc) =	sbr.abs _section_cstart, $3  }
0xc8: {  	[dreg:$0x1] =	wrdreg $0xFFFFFFFF  }
0xc9: {  	_ =	task.clear_ibuf [dreg:s9], $0x2FFFF;
	_ =	strace $0x9FFFFFFF  }
0xca: {  	(tm) =	ssettm $0x7FFFFFFF  }
0xcb: {  	_ =	shalt  }
tec
execute0_lowered:
.L_overlay_start_1:
0x0: {  	(tag) =	ssettag $0x1  }
0x1: {  	s1 =	rddreg [dreg:$0x0]  }
0x2: {  	s5 =	rddreg [dreg:$0x1]  }
0x3: {  	s0 =	rddreg [dreg:$0x2]  }
0x4: {  	s2 =	srdreg.scid;
	s3 =	stileid.u32;
	s4 =	simm.s32 $0x0  }
0x5: {  	s28 =	simm.s32 $0x6;
	s31 =	simm.s32 $0x0;
	s2 =	sand.u32 $0x1, s2  }
0x6: {  	s3 =	sshll.u32 s3, $0x1;
	[smem:$0x7FF] =	sst s4;
	s17 =	sadd.s32 $0x9800, s1  }
0x7: {  	s6 =	sadd.s32 $0xB200, s1;
	s3 =	sor.u32 s2, s3;
	_ =	strace $0x8000004C  }
0x8: {  	[dreg:$0x5] =	wrdreg s6;
	s6 =	sadd.s32 $0xCC00, s1;
	s2 =	ssub.s32 $0x2, s2  }
0x9: {  	s9 =	smul.u32 $0x34, s3;
	s19 =	sshll.u32 s3, $0xA;
	s8 =	sshrl.u32 s2, $0x1  }
0xa: {  	s21 =	sshll.u32 s3, $0x4;
	p0 =	sne.s32 s3, $0x0;
	s1 =	sadd.s32 s19, s1  }
0xb: {  	s2 =	ssub.s32 s2, s8;
	s5 =	sadd.s32 s5, s21;
	s19 =	sadd.s32 s0, s19  }
0xc: {  	s21 =	simm.s32 $0xE380;
	s0 =	simm.s32 $0x2;
	s7 =	sshrl.u32 s9, $0x8  }
0xd: {  	s10 =	sadd.s32 $0x34, s9;
	[dreg:$0x6] =	wrdreg s5;
	s22 =	sadd.s32 $0x68, s9  }
0xe: {  	s24 =	sadd.s32 $0x9C, s9;
	s7 =	smul.u32 $0x5, s7;
	s20 =	sshrl.u32 s10, $0x8  }
0xf: {  	s9 =	sadd.s32 $0xD0, s9;
	s10 =	sshrl.u32 s22, $0x8;
	s12 =	smul.u32 $0x5, s20  }
0x10: {  	s9 =	sshrl.u32 s9, $0x8;
	s22 =	simm.s32 $0x3;
	s10 =	smul.u32 $0x5, s10  }
0x11: {  	s13 =	smul.u32 $0x5, s9;
	s20 =	smax.u32 s2, $0x1;
	s7 =	ssub.s32 s3, s7  }
0x12: {  	s2 =	simm.s32 $0x1;
	s11 =	sand.u32 $0xFF, s7;
	s23 =	ssub.s32 s3, s12  }
0x13: {  	s12 =	sshrl.u32 s24, $0x8;
	s10 =	ssub.s32 s3, s10;
	s8 =	smul.u32 $0x2710, s11  }
0x14: {  	s11 =	sadd.s32 $0x1, s23;
	s12 =	smul.u32 $0x5, s12;
	s10 =	sadd.s32 $0x2, s10  }
0x15: {  	s26 =	ssub.s32 s3, s13;
	s11 =	sand.u32 $0xFF, s11;
	s10 =	sand.u32 $0xFF, s10  }
0x16: {  	s9 =	smul.u32 $0x2710, s11;
	s25 =	ssub.s32 s3, s12;
	s12 =	sadd.s32 $0x4, s26  }
0x17: {  	s24 =	simm.s32 $0xE400;
	s10 =	smul.u32 $0x2710, s10;
	s14 =	sand.u32 $0xFF, s12  }
0x18: {  	s23 =	simm.s32 $0x80;
	s11 =	sadd.s32 $0x3, s25;
	s13 =	smul.u32 $0x2710, s14  }
.Ltmp0:
0x19: {  	s29 =	sshrl.u32 s8, $0x3;
	s11 =	sand.u32 $0xFF, s11;
	(pc) =	sbr.rel .LBB2_1-.Ltmp0, $4  }
0x1a: {  	s3 =	simm.s32 $0x4;
	s15 =	sshrl.u32 s9, $0x3;
	s11 =	smul.u32 $0x2710, s11  }
0x1b: {  	s12 =	sadd.s32 s17, s29;
	s30 =	sshrl.u32 s10, $0x3;
	s14 =	sadd.s32 s17, s15  }
0x1c: {  	s15 =	sadd.s32 s17, s30;
	s18 =	sshrl.u32 s13, $0x3;
	s16 =	sshrl.u32 s11, $0x3  }
0x1d: {  	s16 =	sadd.s32 s17, s16;
	s17 =	sadd.s32 s17, s18;
	s18 =	sadd.s32 $0x1800, s1  }
.LBB2_13:
0x1e: {  	s31 =	sadd.s32 $0x1, s31  }
0x1f: {  	p1 =	sne.s32 s31, s20  }
.Ltmp1:
0x20: {  	_ = 	snop;
	(pc) =	sbr.rel @!p1 .LBB2_14-.Ltmp1, $4  }
0x21: {  	_ = 	snop  }
0x22: {  	_ =	swait.ge [sflag:s0], $0x2000  }
0x23: {  	[sflag:s0] =	ssyncset.done $0x0  }
0x24: {  	[sflag:s0] =	ssyncadd.s32 $0xFFFFE000  }
.LBB2_1:
0x25: {  	s1 =	rddreg [dreg:$0x6]  }
0x26: {  	[tilespmem:s21], [sflag:$0x3] =	stream.linear.gather [hbm4b:s1+s4], $0x80, $0x38;
	[tilespmem:$0x12480] =	vst v63  }
0x27: {  	_ =	swait.ge [sflag:s22], $0x80  }
0x28: {  	[sflag:s22] =	ssyncset.done $0x0  }
0x29: {  	s29 =	rddreg [dreg:$0x5];
	[sflag:s22] =	ssyncadd.s32 $0xFFFFFF80  }
0x2a: {  	[tilespmem:s24], [sflag:$0x4] =	stream.indirect.gather [hbm4b:s29+s23], $0x1, s21, s23, $0xb8;
	[tilespmem:$0x12480] =	vst v63  }
0x2b: {  	_ = 	snop  }
0x2c: {  	[tilespmem:s8], [sflag:$0x1] =	stream.linear.gather [hbm4b:s12+s4], $0x2710, $0x38;
	[tilespmem:$0x12480] =	vst v63  }
0x2d: {  	_ = 	snop  }
0x2e: {  	[tilespmem:s9], [sflag:$0x1] =	stream.linear.gather [hbm4b:s14+s4], $0x2710, $0x38;
	[tilespmem:$0x12480] =	vst v63  }
0x2f: {  	_ = 	snop  }
0x30: {  	[tilespmem:s10], [sflag:$0x1] =	stream.linear.gather [hbm4b:s15+s4], $0x2710, $0x38;
	[tilespmem:$0x12480] =	vst v63  }
0x31: {  	_ = 	snop  }
0x32: {  	[tilespmem:s11], [sflag:$0x1] =	stream.linear.gather [hbm4b:s16+s4], $0x2710, $0x38;
	[tilespmem:$0x12480] =	vst v63  }
.Ltmp2:
0x33: {  	_ = 	snop;
	(pc) =	sbr.rel @p0 .LBB2_3-.Ltmp2, $4  }
0x34: {  	_ = 	snop  }
0x35: {  	[tilespmem:s13], [sflag:$0x1] =	stream.linear.gather [hbm4b:s17+s4], $0x2710, $0x38;
	[tilespmem:$0x12480] =	vst v63  }
0x36: {  	s30 =	simm.s32 $0xC380  }
0x37: {  	[tilespmem:s30], [sflag:$0x2] =	stream.linear.gather [hbm4b:s18+s4], $0x2000, $0x38;
	[tilespmem:$0x12480] =	vst v63  }
0x38: {  	s1 =	rddreg [dreg:$0x1];
	s5 =	simm.s32 $0x10480  }
0x39: {  	[tilespmem:s5], [sflag:$0x6] =	stream.linear.gather [hbm4b:s1+s4], $0x1000, $0x38;
	[tilespmem:$0x12480] =	vst v63  }
0x3a: {  	_ =	swait.ge [sflag:s28], $0x1000  }
0x3b: {  	[sflag:s28] =	ssyncset.done $0x0  }
0x3c: {  	s26 =	simm.s32 $0x11480;
	[sflag:s28] =	ssyncadd.s32 $0xFFFFF000  }
0x3d: {  	[tilespmem:s26], [sflag:$0x5] =	stream.indirect.gather [hbm4b:s6+s23], $0x1, s5, s23, $0xb8;
	[tilespmem:$0x12480] =	vst v63  }
0x3e: {  	s29 =	simm.s32 $0x10500;
	s30 =	simm.s32 $0x11500  }
0x3f: {  	[tilespmem:s30], [sflag:$0x5] =	stream.indirect.gather [hbm4b:s6+s23], $0x1, s29, s23, $0xb8;
	[tilespmem:$0x12480] =	vst v63  }
0x40: {  	s7 =	simm.s32 $0x11580;
	s5 =	simm.s32 $0x10580  }
0x41: {  	[tilespmem:s7], [sflag:$0x5] =	stream.indirect.gather [hbm4b:s6+s23], $0x1, s5, s23, $0xb8;
	[tilespmem:$0x12480] =	vst v63  }
0x42: {  	s25 =	simm.s32 $0x10600;
	s26 =	simm.s32 $0x11600  }
0x43: {  	[tilespmem:s26], [sflag:$0x5] =	stream.indirect.gather [hbm4b:s6+s23], $0x1, s25, s23, $0xb8;
	[tilespmem:$0x12480] =	vst v63  }
0x44: {  	s29 =	simm.s32 $0x10680;
	s30 =	simm.s32 $0x11680  }
0x45: {  	[tilespmem:s30], [sflag:$0x5] =	stream.indirect.gather [hbm4b:s6+s23], $0x1, s29, s23, $0xb8;
	[tilespmem:$0x12480] =	vst v63  }
0x46: {  	s5 =	simm.s32 $0x10700;
	s7 =	simm.s32 $0x11700  }
0x47: {  	[tilespmem:s7], [sflag:$0x5] =	stream.indirect.gather [hbm4b:s6+s23], $0x1, s5, s23, $0xb8;
	[tilespmem:$0x12480] =	vst v63  }
0x48: {  	s25 =	simm.s32 $0x10780;
	s26 =	simm.s32 $0x11780  }
0x49: {  	[tilespmem:s26], [sflag:$0x5] =	stream.indirect.gather [hbm4b:s6+s23], $0x1, s25, s23, $0xb8;
	[tilespmem:$0x12480] =	vst v63  }
0x4a: {  	s29 =	simm.s32 $0x10800;
	s30 =	simm.s32 $0x11800  }
0x4b: {  	[tilespmem:s30], [sflag:$0x5] =	stream.indirect.gather [hbm4b:s6+s23], $0x1, s29, s23, $0xb8;
	[tilespmem:$0x12480] =	vst v63  }
0x4c: {  	s5 =	simm.s32 $0x10880;
	s7 =	simm.s32 $0x11880  }
0x4d: {  	[tilespmem:s7], [sflag:$0x5] =	stream.indirect.gather [hbm4b:s6+s23], $0x1, s5, s23, $0xb8;
	[tilespmem:$0x12480] =	vst v63  }
0x4e: {  	s25 =	simm.s32 $0x10900;
	s26 =	simm.s32 $0x11900  }
0x4f: {  	[tilespmem:s26], [sflag:$0x5] =	stream.indirect.gather [hbm4b:s6+s23], $0x1, s25, s23, $0xb8;
	[tilespmem:$0x12480] =	vst v63  }
0x50: {  	s29 =	simm.s32 $0x10980;
	s30 =	simm.s32 $0x11980  }
0x51: {  	[tilespmem:s30], [sflag:$0x5] =	stream.indirect.gather [hbm4b:s6+s23], $0x1, s29, s23, $0xb8;
	[tilespmem:$0x12480] =	vst v63  }
0x52: {  	s5 =	simm.s32 $0x10A00;
	s7 =	simm.s32 $0x11A00  }
0x53: {  	[tilespmem:s7], [sflag:$0x5] =	stream.indirect.gather [hbm4b:s6+s23], $0x1, s5, s23, $0xb8;
	[tilespmem:$0x12480] =	vst v63  }
0x54: {  	s25 =	simm.s32 $0x10A80;
	s26 =	simm.s32 $0x11A80  }
0x55: {  	[tilespmem:s26], [sflag:$0x5] =	stream.indirect.gather [hbm4b:s6+s23], $0x1, s25, s23, $0xb8;
	[tilespmem:$0x12480] =	vst v63  }
0x56: {  	s29 =	simm.s32 $0x10B00;
	s30 =	simm.s32 $0x11B00  }
0x57: {  	[tilespmem:s30], [sflag:$0x5] =	stream.indirect.gather [hbm4b:s6+s23], $0x1, s29, s23, $0xb8;
	[tilespmem:$0x12480] =	vst v63  }
0x58: {  	s5 =	simm.s32 $0x10B80;
	s7 =	simm.s32 $0x11B80  }
0x59: {  	[tilespmem:s7], [sflag:$0x5] =	stream.indirect.gather [hbm4b:s6+s23], $0x1, s5, s23, $0xb8;
	[tilespmem:$0x12480] =	vst v63  }
0x5a: {  	s25 =	simm.s32 $0x10C00;
	s26 =	simm.s32 $0x11C00  }
0x5b: {  	[tilespmem:s26], [sflag:$0x5] =	stream.indirect.gather [hbm4b:s6+s23], $0x1, s25, s23, $0xb8;
	[tilespmem:$0x12480] =	vst v63  }
0x5c: {  	s29 =	simm.s32 $0x10C80;
	s30 =	simm.s32 $0x11C80  }
0x5d: {  	[tilespmem:s30], [sflag:$0x5] =	stream.indirect.gather [hbm4b:s6+s23], $0x1, s29, s23, $0xb8;
	[tilespmem:$0x12480] =	vst v63  }
0x5e: {  	s5 =	simm.s32 $0x10D00;
	s7 =	simm.s32 $0x11D00  }
0x5f: {  	[tilespmem:s7], [sflag:$0x5] =	stream.indirect.gather [hbm4b:s6+s23], $0x1, s5, s23, $0xb8;
	[tilespmem:$0x12480] =	vst v63  }
0x60: {  	s25 =	simm.s32 $0x10D80;
	s26 =	simm.s32 $0x11D80  }
0x61: {  	[tilespmem:s26], [sflag:$0x5] =	stream.indirect.gather [hbm4b:s6+s23], $0x1, s25, s23, $0xb8;
	[tilespmem:$0x12480] =	vst v63  }
0x62: {  	s29 =	simm.s32 $0x10E00;
	s30 =	simm.s32 $0x11E00  }
0x63: {  	[tilespmem:s30], [sflag:$0x5] =	stream.indirect.gather [hbm4b:s6+s23], $0x1, s29, s23, $0xb8;
	[tilespmem:$0x12480] =	vst v63  }
0x64: {  	s5 =	simm.s32 $0x10E80;
	s7 =	simm.s32 $0x11E80  }
0x65: {  	[tilespmem:s7], [sflag:$0x5] =	stream.indirect.gather [hbm4b:s6+s23], $0x1, s5, s23, $0xb8;
	[tilespmem:$0x12480] =	vst v63  }
0x66: {  	s25 =	simm.s32 $0x10F00;
	s26 =	simm.s32 $0x11F00  }
0x67: {  	[tilespmem:s26], [sflag:$0x5] =	stream.indirect.gather [hbm4b:s6+s23], $0x1, s25, s23, $0xb8;
	[tilespmem:$0x12480] =	vst v63  }
0x68: {  	s29 =	simm.s32 $0x10F80;
	s30 =	simm.s32 $0x11F80  }
0x69: {  	[tilespmem:s30], [sflag:$0x5] =	stream.indirect.gather [hbm4b:s6+s23], $0x1, s29, s23, $0xb8;
	[tilespmem:$0x12480] =	vst v63  }
0x6a: {  	s5 =	simm.s32 $0x11000;
	s7 =	simm.s32 $0x12000  }
0x6b: {  	[tilespmem:s7], [sflag:$0x5] =	stream.indirect.gather [hbm4b:s6+s23], $0x1, s5, s23, $0xb8;
	[tilespmem:$0x12480] =	vst v63  }
0x6c: {  	s25 =	simm.s32 $0x11080;
	s26 =	simm.s32 $0x12080  }
0x6d: {  	[tilespmem:s26], [sflag:$0x5] =	stream.indirect.gather [hbm4b:s6+s23], $0x1, s25, s23, $0xb8;
	[tilespmem:$0x12480] =	vst v63  }
0x6e: {  	s29 =	simm.s32 $0x11100;
	s30 =	simm.s32 $0x12100  }
0x6f: {  	[tilespmem:s30], [sflag:$0x5] =	stream.indirect.gather [hbm4b:s6+s23], $0x1, s29, s23, $0xb8;
	[tilespmem:$0x12480] =	vst v63  }
0x70: {  	s5 =	simm.s32 $0x11180;
	s7 =	simm.s32 $0x12180  }
0x71: {  	[tilespmem:s7], [sflag:$0x5] =	stream.indirect.gather [hbm4b:s6+s23], $0x1, s5, s23, $0xb8;
	[tilespmem:$0x12480] =	vst v63  }
0x72: {  	s25 =	simm.s32 $0x11200;
	s26 =	simm.s32 $0x12200  }
0x73: {  	[tilespmem:s26], [sflag:$0x5] =	stream.indirect.gather [hbm4b:s6+s23], $0x1, s25, s23, $0xb8;
	[tilespmem:$0x12480] =	vst v63  }
0x74: {  	s29 =	simm.s32 $0x11280;
	s30 =	simm.s32 $0x12280  }
0x75: {  	[tilespmem:s30], [sflag:$0x5] =	stream.indirect.gather [hbm4b:s6+s23], $0x1, s29, s23, $0xb8;
	[tilespmem:$0x12480] =	vst v63  }
0x76: {  	s5 =	simm.s32 $0x11300;
	s7 =	simm.s32 $0x12300  }
0x77: {  	[tilespmem:s7], [sflag:$0x5] =	stream.indirect.gather [hbm4b:s6+s23], $0x1, s5, s23, $0xb8;
	[tilespmem:$0x12480] =	vst v63  }
0x78: {  	s25 =	simm.s32 $0x11380;
	s26 =	simm.s32 $0x12380  }
0x79: {  	[tilespmem:s26], [sflag:$0x5] =	stream.indirect.gather [hbm4b:s6+s23], $0x1, s25, s23, $0xb8;
	[tilespmem:$0x12480] =	vst v63  }
0x7a: {  	s29 =	simm.s32 $0x11400;
	s30 =	simm.s32 $0x12400  }
0x7b: {  	[tilespmem:s30], [sflag:$0x5] =	stream.indirect.gather [hbm4b:s6+s23], $0x1, s29, s23, $0xb8;
	[tilespmem:$0x12480] =	vst v63  }
.LBB2_3:
0x7c: {  	_ =	strace $0x8000004D  }
0x7d: {  	_ =	swait.ge [sflag:s2], $0x2710  }
0x7e: {  	[sflag:s2] =	ssyncset.done $0x0  }
0x7f: {  	[sflag:s2] =	ssyncadd.s32 $0xFFFFD8F0  }
0x80: {  	_ =	swait.ge [sflag:s2], $0x2710  }
0x81: {  	[sflag:s2] =	ssyncset.done $0x0  }
0x82: {  	[sflag:s2] =	ssyncadd.s32 $0xFFFFD8F0  }
0x83: {  	_ =	swait.ge [sflag:s2], $0x2710  }
0x84: {  	[sflag:s2] =	ssyncset.done $0x0  }
0x85: {  	[sflag:s2] =	ssyncadd.s32 $0xFFFFD8F0  }
0x86: {  	_ =	swait.ge [sflag:s2], $0x2710  }
0x87: {  	[sflag:s2] =	ssyncset.done $0x0  }
0x88: {  	[sflag:s2] =	ssyncadd.s32 $0xFFFFD8F0  }
0x89: {  	_ =	swait.ge [sflag:s2], $0x2710  }
0x8a: {  	[sflag:s2] =	ssyncset.done $0x0  }
0x8b: {  	[sflag:s2] =	ssyncadd.s32 $0xFFFFD8F0  }
0x8c: {  	_ =	swait.ge [sflag:s0], $0x2000  }
0x8d: {  	[sflag:s0] =	ssyncset.done $0x0  }
0x8e: {  	[sflag:s0] =	ssyncadd.s32 $0xFFFFE000  }
0x8f: {  	_ =	swait.ge [sflag:s3], $0x80  }
0x90: {  	[sflag:s3] =	ssyncset.done $0x0  }
0x91: {  	[sflag:s3] =	ssyncadd.s32 $0xFFFFFF80  }
0x92: {  	s26 =	simm.s32 $0x3;
	s29 =	simm.s32 $0xC0;
	_ =	strace $0x9000004D  }
0x93: {  	s25 =	simm.s32 $0xC400;
	s1 =	simm.s32 $0xE500;
	_ =	strace $0x8000004E  }
.LBB2_4:
0x94: {  	v1 =	vld [tilespmem:s25+$0xFFFFFF80]  }
0x95: {  	v2 =	vld [tilespmem:s25+$0xFFFFFF90]  }
0x96: {  	s30 =	sadd.s32 $0xFFFFFFFD, s26;
	v3 =	vld [tilespmem:s25+$0xFFFFFFA0]  }
0x97: {  	v0 =	vmov s30  }
0x98: {  	v4 =	vld [tilespmem:s25+$0xFFFFFFB0];
	v0 =	vand.u32 $0xFFFFFFFC, v0  }
0x99: {  	v0 =	vbroadcast v0, $0x0;
	_ =	sdelay $0x2  }
0x9a: {  	v1 =	vld.idx.msk [tilespmem:v1+s4+$0x0], $0xffff  }
0x9b: {  	v2 =	vld.idx.msk [tilespmem:v2+s4+$0x0], $0xffff  }
0x9c: {  	v3 =	vld.idx.msk [tilespmem:v3+s4+$0x0], $0xffff  }
0x9d: {  	v0 =	vld.idx.msk [tilespmem:v0+s24+$0x0], $0xffff  }
0x9e: {  	v4 =	vld.idx.msk [tilespmem:v4+s4+$0x0], $0xffff;
	_ =	sdelay $0x3  }
0x9f: {  	v1 =	vadd.f32 v1, v0;
	v2 =	vadd.f32 v2, v0  }
0xa0: {  	v3 =	vadd.f32 v3, v0;
	v0 =	vadd.f32 v4, v0  }
0xa1: {  	v5 =	vmul.f32 $9.999999770e-03, v1;
	vm0 =	vge.f32 v1, $0.0e+00;
	v53 =	vmul.f32 $9.999999770e-03, v2  }
0xa2: {  	vm13 =	vge.f32 v2, $0.0e+00;
	v54 =	vmul.f32 $9.999999770e-03, v3;
	vm14 =	vge.f32 v3, $0.0e+00  }
0xa3: {  	v55 =	vmul.f32 $9.999999770e-03, v0;
	v1 =	vsel vm0, v1, v5;
	v2 =	vsel vm13, v2, v53  }
0xa4: {  	vm15 =	vge.f32 v0, $0.0e+00;
	v3 =	vsel vm14, v3, v54;
	v56 =	vmax.f32 v1, v2  }
0xa5: {  	v0 =	vsel vm15, v0, v55;
	v57 =	vmax.f32 v56, v3  }
0xa6: {  	v4 =	vmax.f32 v57, v0  }
0xa7: {  	(xrf0) =	vmax.scan.msk.f32 $0xffff, v4;
	_ =	sdelay $0x5  }
0xa8: {  	v4, _, _ =	vpop (xrf0)  }
0xa9: {  	v4 =	vbroadcast v4, $0xF;
	_ =	sdelay $0x1  }
0xaa: {  	v1 =	vsub.f32 v1, v4  }
0xab: {  	v2 =	vsub.f32 v2, v4  }
0xac: {  	v1 =	vmul.f32 $1.442695020e+00, v1  }
0xad: {  	v3 =	vsub.f32 v3, v4;
	v2 =	vmul.f32 $1.442695020e+00, v2  }
0xae: {  	(erf) = vpow2.f32 v1  }
0xaf: {  	v0 =	vsub.f32 v0, v4;
	v58 =	vmul.f32 $1.442695020e+00, v3;
	(erf) = vpow2.f32 v2;
	_ =	sdelay $0x1  }
0xb0: {  	v0 =	vmul.f32 $1.442695020e+00, v0;
	(erf) = vpow2.f32 v58;
	_ =	sdelay $0x1  }
0xb1: {  	(erf) = vpow2.f32 v0;
	_ =	sdelay $0x3  }
0xb2: {  	v59 =	vpop (erf)  }
0xb3: {  	v60 =	vpop (erf)  }
0xb4: {  	v61 =	vadd.f32 v60, v59  }
0xb5: {  	v62 =	vpop (erf)  }
0xb6: {  	v2 =	vadd.f32 v61, v62  }
0xb7: {  	v63 =	vpop (erf)  }
0xb8: {  	v2 =	vadd.f32 v2, v63;
	_ =	sdelay $0x1  }
0xb9: {  	(xrf2) =	vadd.scan.msk.f32 $0xffff, v2;
	_ =	sdelay $0x9  }
0xba: {  	v2, _, _ =	vpop (xrf2)  }
0xbb: {  	v2 =	vbroadcast v2, $0xF;
	_ =	sdelay $0x1  }
0xbc: {  	(erf) = vrcp.f32 v2;
	_ =	sdelay $0x8  }
0xbd: {  	v2 =	vpop (erf)  }
0xbe: {  	v0 =	vmul.f32 v2, v59  }
0xbf: {  	v1 =	vmul.f32 v2, v60  }
0xc0: {  	v7 =	vmul.f32 v2, v62;
	[tilespmem:s1+$0xFFFFFF80] =	vst v0  }
0xc1: {  	v8 =	vmul.f32 v2, v63;
	[tilespmem:s1+$0xFFFFFF90] =	vst v1  }
0xc2: {  	s5 =	sadd.s32 $0xFFFFFFFE, s26;
	[tilespmem:s1+$0xFFFFFFA0] =	vst v7  }
0xc3: {  	v9 =	vmov s5;
	s30 =	sadd.s32 $0xFFFFFF80, s29;
	[tilespmem:s1+$0xFFFFFFB0] =	vst v8  }
0xc4: {  	s5 =	sor.u32 $0x50, s30;
	v0 =	vand.u32 $0xFFFFFFFD, v9;
	v1 =	vld [tilespmem:s25+$0xFFFFFFC0]  }
0xc5: {  	s7 =	sor.u32 $0x60, s30;
	v0 =	vbroadcast v0, $0x0;
	v10 =	vld [tilespmem:s5+$0xC380]  }
0xc6: {  	s30 =	sor.u32 $0x70, s30;
	v11 =	vld [tilespmem:s7+$0xC380]  }
0xc7: {  	v12 =	vld [tilespmem:s30+$0xC380];
	_ =	sdelay $0x3  }
0xc8: {  	v0 =	vld.idx.msk [tilespmem:v0+s24+$0x0], $0xffff  }
0xc9: {  	v1 =	vld.idx.msk [tilespmem:v1+s4+$0x0], $0xffff  }
0xca: {  	v2 =	vld.idx.msk [tilespmem:v10+s4+$0x0], $0xffff  }
0xcb: {  	v3 =	vld.idx.msk [tilespmem:v11+s4+$0x0], $0xffff  }
0xcc: {  	v4 =	vld.idx.msk [tilespmem:v12+s4+$0x0], $0xffff;
	_ =	sdelay $0x3  }
0xcd: {  	v1 =	vadd.f32 v1, v0;
	v2 =	vadd.f32 v2, v0  }
0xce: {  	v3 =	vadd.f32 v3, v0;
	v0 =	vadd.f32 v4, v0  }
0xcf: {  	v13 =	vmul.f32 $9.999999770e-03, v1;
	vm4 =	vge.f32 v1, $0.0e+00;
	v14 =	vmul.f32 $9.999999770e-03, v2  }
0xd0: {  	vm5 =	vge.f32 v2, $0.0e+00;
	v15 =	vmul.f32 $9.999999770e-03, v3;
	vm6 =	vge.f32 v3, $0.0e+00  }
0xd1: {  	v16 =	vmul.f32 $9.999999770e-03, v0;
	v1 =	vsel vm4, v1, v13;
	v2 =	vsel vm5, v2, v14  }
0xd2: {  	vm7 =	vge.f32 v0, $0.0e+00;
	v3 =	vsel vm6, v3, v15;
	v17 =	vmax.f32 v1, v2  }
0xd3: {  	v0 =	vsel vm7, v0, v16;
	v18 =	vmax.f32 v17, v3  }
0xd4: {  	v4 =	vmax.f32 v18, v0  }
0xd5: {  	(xrf0) =	vmax.scan.msk.f32 $0xffff, v4;
	_ =	sdelay $0x5  }
0xd6: {  	v4, _, _ =	vpop (xrf0)  }
0xd7: {  	v4 =	vbroadcast v4, $0xF;
	_ =	sdelay $0x1  }
0xd8: {  	v1 =	vsub.f32 v1, v4  }
0xd9: {  	v2 =	vsub.f32 v2, v4  }
0xda: {  	v1 =	vmul.f32 $1.442695020e+00, v1  }
0xdb: {  	v3 =	vsub.f32 v3, v4;
	v2 =	vmul.f32 $1.442695020e+00, v2  }
0xdc: {  	(erf) = vpow2.f32 v1  }
0xdd: {  	v0 =	vsub.f32 v0, v4;
	v19 =	vmul.f32 $1.442695020e+00, v3;
	(erf) = vpow2.f32 v2;
	_ =	sdelay $0x1  }
0xde: {  	v0 =	vmul.f32 $1.442695020e+00, v0;
	(erf) = vpow2.f32 v19;
	_ =	sdelay $0x1  }
0xdf: {  	(erf) = vpow2.f32 v0;
	_ =	sdelay $0x3  }
0xe0: {  	v20 =	vpop (erf)  }
0xe1: {  	v21 =	vpop (erf)  }
0xe2: {  	v22 =	vadd.f32 v21, v20  }
0xe3: {  	v23 =	vpop (erf)  }
0xe4: {  	v2 =	vadd.f32 v22, v23  }
0xe5: {  	v24 =	vpop (erf)  }
0xe6: {  	v2 =	vadd.f32 v2, v24;
	_ =	sdelay $0x1  }
0xe7: {  	(xrf2) =	vadd.scan.msk.f32 $0xffff, v2;
	_ =	sdelay $0x9  }
0xe8: {  	v2, _, _ =	vpop (xrf2)  }
0xe9: {  	v2 =	vbroadcast v2, $0xF;
	_ =	sdelay $0x1  }
0xea: {  	(erf) = vrcp.f32 v2;
	_ =	sdelay $0x8  }
0xeb: {  	v2 =	vpop (erf)  }
0xec: {  	v0 =	vmul.f32 v2, v20  }
0xed: {  	v1 =	vmul.f32 v2, v21  }
0xee: {  	v25 =	vmul.f32 v2, v23;
	[tilespmem:s1+$0xFFFFFFC0] =	vst v0  }
0xef: {  	v26 =	vmul.f32 v2, v24;
	[tilespmem:s5+$0xE480] =	vst v1  }
0xf0: {  	[tilespmem:s7+$0xE480] =	vst v25;
	s7 =	sadd.s32 $0xFFFFFFFF, s26  }
0xf1: {  	[tilespmem:s30+$0xE480] =	vst v26;
	v27 =	vmov s7  }
0xf2: {  	v0 =	vand.u32 $0xFFFFFFFE, v27;
	v1 =	vld [tilespmem:s25+$0x0]  }
0xf3: {  	v28 =	vld [tilespmem:s25+$0x10];
	v0 =	vbroadcast v0, $0x0  }
0xf4: {  	v29 =	vld [tilespmem:s25+$0x20]  }
0xf5: {  	v30 =	vld [tilespmem:s25+$0x30];
	_ =	sdelay $0x3  }
0xf6: {  	v0 =	vld.idx.msk [tilespmem:v0+s24+$0x0], $0xffff  }
0xf7: {  	v1 =	vld.idx.msk [tilespmem:v1+s4+$0x0], $0xffff  }
0xf8: {  	v2 =	vld.idx.msk [tilespmem:v28+s4+$0x0], $0xffff  }
0xf9: {  	v3 =	vld.idx.msk [tilespmem:v29+s4+$0x0], $0xffff  }
0xfa: {  	v4 =	vld.idx.msk [tilespmem:v30+s4+$0x0], $0xffff;
	_ =	sdelay $0x3  }
0xfb: {  	v1 =	vadd.f32 v1, v0;
	v2 =	vadd.f32 v2, v0  }
0xfc: {  	v3 =	vadd.f32 v3, v0;
	v0 =	vadd.f32 v4, v0  }
0xfd: {  	v31 =	vmul.f32 $9.999999770e-03, v1;
	vm8 =	vge.f32 v1, $0.0e+00;
	v32 =	vmul.f32 $9.999999770e-03, v2  }
0xfe: {  	vm9 =	vge.f32 v2, $0.0e+00;
	v33 =	vmul.f32 $9.999999770e-03, v3;
	vm10 =	vge.f32 v3, $0.0e+00  }
0xff: {  	v34 =	vmul.f32 $9.999999770e-03, v0;
	v1 =	vsel vm8, v1, v31;
	v2 =	vsel vm9, v2, v32  }
0x100: {  	vm11 =	vge.f32 v0, $0.0e+00;
	v3 =	vsel vm10, v3, v33;
	v35 =	vmax.f32 v1, v2  }
0x101: {  	v0 =	vsel vm11, v0, v34;
	v36 =	vmax.f32 v35, v3  }
0x102: {  	v4 =	vmax.f32 v36, v0  }
0x103: {  	(xrf0) =	vmax.scan.msk.f32 $0xffff, v4;
	_ =	sdelay $0x5  }
0x104: {  	v4, _, _ =	vpop (xrf0)  }
0x105: {  	v4 =	vbroadcast v4, $0xF;
	_ =	sdelay $0x1  }
0x106: {  	v1 =	vsub.f32 v1, v4  }
0x107: {  	v2 =	vsub.f32 v2, v4  }
0x108: {  	v1 =	vmul.f32 $1.442695020e+00, v1  }
0x109: {  	v3 =	vsub.f32 v3, v4;
	v2 =	vmul.f32 $1.442695020e+00, v2  }
0x10a: {  	(erf) = vpow2.f32 v1  }
0x10b: {  	v0 =	vsub.f32 v0, v4;
	v37 =	vmul.f32 $1.442695020e+00, v3;
	(erf) = vpow2.f32 v2;
	_ =	sdelay $0x1  }
0x10c: {  	v0 =	vmul.f32 $1.442695020e+00, v0;
	(erf) = vpow2.f32 v37;
	_ =	sdelay $0x1  }
0x10d: {  	(erf) = vpow2.f32 v0;
	_ =	sdelay $0x3  }
0x10e: {  	v38 =	vpop (erf)  }
0x10f: {  	v39 =	vpop (erf)  }
0x110: {  	v40 =	vadd.f32 v39, v38  }
0x111: {  	v41 =	vpop (erf)  }
0x112: {  	v2 =	vadd.f32 v40, v41  }
0x113: {  	v42 =	vpop (erf)  }
0x114: {  	v2 =	vadd.f32 v2, v42;
	_ =	sdelay $0x1  }
0x115: {  	(xrf2) =	vadd.scan.msk.f32 $0xffff, v2;
	_ =	sdelay $0x9  }
0x116: {  	v2, _, _ =	vpop (xrf2)  }
0x117: {  	v2 =	vbroadcast v2, $0xF;
	_ =	sdelay $0x1  }
0x118: {  	(erf) = vrcp.f32 v2;
	_ =	sdelay $0x8  }
0x119: {  	v2 =	vpop (erf)  }
0x11a: {  	v0 =	vmul.f32 v2, v38  }
0x11b: {  	v1 =	vmul.f32 v2, v39  }
0x11c: {  	v43 =	vmul.f32 v2, v41;
	[tilespmem:s1+$0x0] =	vst v0  }
0x11d: {  	v44 =	vmul.f32 v2, v42;
	[tilespmem:s1+$0x10] =	vst v1  }
0x11e: {  	[tilespmem:s1+$0x20] =	vst v43  }
0x11f: {  	[tilespmem:s1+$0x30] =	vst v44  }
0x120: {  	s5 =	sor.u32 $0x50, s29;
	v0 =	vld [tilespmem:s25+$0x40]  }
0x121: {  	s7 =	sor.u32 $0x60, s29;
	v1 =	vld [tilespmem:s5+$0xC380]  }
0x122: {  	v45 =	vmov s26;
	s30 =	sor.u32 $0x70, s29;
	v46 =	vld [tilespmem:s7+$0xC380]  }
0x123: {  	v47 =	vld [tilespmem:s30+$0xC380];
	_ =	sdelay $0x3  }
0x124: {  	v2 =	vld.idx.msk [tilespmem:v45+s24+$0x0], $0xffff  }
0x125: {  	v0 =	vld.idx.msk [tilespmem:v0+s4+$0x0], $0xffff  }
0x126: {  	v1 =	vld.idx.msk [tilespmem:v1+s4+$0x0], $0xffff  }
0x127: {  	v3 =	vld.idx.msk [tilespmem:v46+s4+$0x0], $0xffff  }
0x128: {  	v4 =	vld.idx.msk [tilespmem:v47+s4+$0x0], $0xffff;
	_ =	sdelay $0x3  }
0x129: {  	v0 =	vadd.f32 v0, v2;
	v1 =	vadd.f32 v1, v2  }
0x12a: {  	v3 =	vadd.f32 v3, v2;
	v2 =	vadd.f32 v4, v2  }
0x12b: {  	v48 =	vmul.f32 $9.999999770e-03, v0;
	vm12 =	vge.f32 v0, $0.0e+00;
	v49 =	vmul.f32 $9.999999770e-03, v1  }
0x12c: {  	vm13 =	vge.f32 v1, $0.0e+00;
	v50 =	vmul.f32 $9.999999770e-03, v3;
	vm14 =	vge.f32 v3, $0.0e+00  }
0x12d: {  	v51 =	vmul.f32 $9.999999770e-03, v2;
	v0 =	vsel vm12, v0, v48;
	v1 =	vsel vm13, v1, v49  }
0x12e: {  	vm15 =	vge.f32 v2, $0.0e+00;
	v3 =	vsel vm14, v3, v50;
	v52 =	vmax.f32 v0, v1  }
0x12f: {  	v2 =	vsel vm15, v2, v51;
	v53 =	vmax.f32 v52, v3  }
0x130: {  	v4 =	vmax.f32 v53, v2  }
0x131: {  	(xrf0) =	vmax.scan.msk.f32 $0xffff, v4;
	_ =	sdelay $0x5  }
0x132: {  	v4, _, _ =	vpop (xrf0)  }
0x133: {  	v4 =	vbroadcast v4, $0xF;
	_ =	sdelay $0x1  }
0x134: {  	v0 =	vsub.f32 v0, v4  }
0x135: {  	v1 =	vsub.f32 v1, v4  }
0x136: {  	v0 =	vmul.f32 $1.442695020e+00, v0  }
0x137: {  	v3 =	vsub.f32 v3, v4;
	v1 =	vmul.f32 $1.442695020e+00, v1  }
0x138: {  	(erf) = vpow2.f32 v0  }
0x139: {  	v55 =	vsub.f32 v2, v4;
	v54 =	vmul.f32 $1.442695020e+00, v3;
	(erf) = vpow2.f32 v1;
	_ =	sdelay $0x1  }
0x13a: {  	v56 =	vmul.f32 $1.442695020e+00, v55;
	(erf) = vpow2.f32 v54;
	_ =	sdelay $0x1  }
0x13b: {  	(erf) = vpow2.f32 v56;
	_ =	sdelay $0x3  }
0x13c: {  	v57 =	vpop (erf)  }
0x13d: {  	v58 =	vpop (erf)  }
0x13e: {  	v59 =	vadd.f32 v58, v57  }
0x13f: {  	v60 =	vpop (erf)  }
0x140: {  	v2 =	vadd.f32 v59, v60  }
0x141: {  	v61 =	vpop (erf)  }
0x142: {  	v2 =	vadd.f32 v2, v61;
	_ =	sdelay $0x1  }
0x143: {  	(xrf2) =	vadd.scan.msk.f32 $0xffff, v2;
	_ =	sdelay $0x9  }
0x144: {  	v2, _, _ =	vpop (xrf2)  }
0x145: {  	v2 =	vbroadcast v2, $0xF;
	_ =	sdelay $0x1  }
0x146: {  	(erf) = vrcp.f32 v2;
	_ =	sdelay $0x8  }
0x147: {  	v2 =	vpop (erf)  }
0x148: {  	p1 =	sne.s32 s26, $0x7F;
	v0 =	vmul.f32 v2, v57  }
.Ltmp3:
0x149: {  	v1 =	vmul.f32 v2, v58;
	(pc) =	sbr.rel @p1 .LBB2_4-.Ltmp3, $4  }
0x14a: {  	v62 =	vmul.f32 v2, v60;
	[tilespmem:s1+$0x40] =	vst v0  }
0x14b: {  	v63 =	vmul.f32 v2, v61;
	[tilespmem:s5+$0xE480] =	vst v1  }
0x14c: {  	s26 =	sadd.s32 $0x4, s26;
	[tilespmem:s7+$0xE480] =	vst v62  }
0x14d: {  	s29 =	sadd.s32 $0x100, s29;
	s25 =	sadd.s32 $0x100, s25;
	s1 =	sadd.s32 $0x100, s1;
	[tilespmem:s30+$0xE480] =	vst v63  }
.Ltmp4:
0x14e: {  	(pc) =	sbr.rel @p0 .LBB2_13-.Ltmp4, $3  }
0x14f: {  	_ =	sdelay $0x1  }
0x150: {  	_ =	strace $0x9000004E;
	s1 =	simm.s32 $0xE480  }
0x151: {  	[hbm4b:s19+s4] =	stream.linear.scatter [tilespmem:s1], [sflag:$0x2], $0x2000, $0x38;
	[tilespmem:$0x12480] =	vst v63  }
0x152: {  	s1 =	simm.s32 $0x5  }
0x153: {  	_ =	swait.ge [sflag:s1], $0x1000  }
0x154: {  	[sflag:s1] =	ssyncset.done $0x0  }
0x155: {  	v0 =	vimm.f32 $-1.000000020e+30;
	s25 =	simm.s32 $0x40;
	[sflag:s1] =	ssyncadd.s32 $0xFFFFF000;
	s1 =	simm.s32 $0x0  }
.LBB2_7:
0x156: {  	p1 =	sne.s32 s25, $0x3FC0;
	v1 =	vld [tilespmem:s1+$0x11480];
	_ =	sdelay $0x3  }
.Ltmp5:
0x157: {  	(pc) =	sbr.rel @p1 .LBB2_7-.Ltmp5, $4  }
0x158: {  	v2 =	vmul.f32 $9.999999770e-03, v1  }
0x159: {  	vm0 =	vge.f32 v1, $0.0e+00  }
0x15a: {  	v1 =	vsel vm0, v1, v2  }
0x15b: {  	[tilespmem:s1+$0x11480] =	vst v1;
	s1 =	sshra.s32 s25, $0x2;
	s25 =	sadd.s32 $0x40, s25;
	v0 =	vmax.f32 v0, v1  }
0x15c: {  	v1 =	vld [tilespmem:s1+$0x11480];
	_ =	sdelay $0x4  }
0x15d: {  	v2 =	vmul.f32 $9.999999770e-03, v1  }
0x15e: {  	vm0 =	vge.f32 v1, $0.0e+00  }
0x15f: {  	v1 =	vsel vm0, v1, v2  }
0x160: {  	v0 =	vmax.f32 v0, v1  }
0x161: {  	(xrf0) =	vmax.scan.msk.f32 $0xffff, v0;
	_ =	sdelay $0x5  }
0x162: {  	v0, _, _ =	vpop (xrf0)  }
0x163: {  	s25 =	simm.s32 $0x40;
	[tilespmem:s1+$0x11480] =	vst v1;
	s1 =	simm.s32 $0x0;
	v1 =	vbroadcast v0, $0xF;
	v0 =	vimm.f32 $0.0e+00  }
.LBB2_9:
0x164: {  	p1 =	sne.s32 s25, $0x3FC0;
	v2 =	vld [tilespmem:s1+$0x11480];
	_ =	sdelay $0x4  }
0x165: {  	v2 =	vsub.f32 v2, v1;
	_ =	sdelay $0x1  }
0x166: {  	v2 =	vmul.f32 $1.442695020e+00, v2;
	_ =	sdelay $0x1  }
0x167: {  	(erf) = vpow2.f32 v2;
	_ =	sdelay $0x5  }
.Ltmp6:
0x168: {  	(pc) =	sbr.rel @p1 .LBB2_9-.Ltmp6, $3  }
0x169: {  	_ =	sdelay $0x1  }
0x16a: {  	v2 =	vpop (erf)  }
0x16b: {  	[tilespmem:s1+$0x11480] =	vst v2;
	s1 =	sshra.s32 s25, $0x2;
	s25 =	sadd.s32 $0x40, s25;
	v0 =	vadd.f32 v2, v0  }
0x16c: {  	v2 =	vld [tilespmem:s1+$0x11480];
	_ =	sdelay $0x4  }
0x16d: {  	v1 =	vsub.f32 v2, v1;
	_ =	sdelay $0x1  }
0x16e: {  	v1 =	vmul.f32 $1.442695020e+00, v1;
	_ =	sdelay $0x1  }
0x16f: {  	(erf) = vpow2.f32 v1;
	_ =	sdelay $0x8  }
0x170: {  	v1 =	vpop (erf)  }
0x171: {  	v0 =	vadd.f32 v1, v0;
	_ =	sdelay $0x1  }
0x172: {  	(xrf2) =	vadd.scan.msk.f32 $0xffff, v0;
	_ =	sdelay $0x9  }
0x173: {  	v0, _, _ =	vpop (xrf2)  }
0x174: {  	[tilespmem:s1+$0x11480] =	vst v1;
	v0 =	vbroadcast v0, $0xF  }
0x175: {  	_ =	strace $0x8000004F  }
0x176: {  	(erf) = vrcp.f32 v0;
	_ =	sdelay $0x8  }
0x177: {  	s25 =	simm.s32 $0x40;
	s1 =	simm.s32 $0x0;
	v0 =	vpop (erf)  }
.LBB2_11:
0x178: {  	p1 =	sne.s32 s25, $0x3FC0;
	v1 =	vld [tilespmem:s1+$0x11480];
	_ =	sdelay $0x2  }
.Ltmp7:
0x179: {  	(pc) =	sbr.rel @p1 .LBB2_11-.Ltmp7, $3  }
0x17a: {  	_ = 	snop  }
0x17b: {  	v1 =	vmul.f32 v1, v0;
	_ =	sdelay $0x1  }
0x17c: {  	[tilespmem:s1+$0x11480] =	vst v1;
	s1 =	sshra.s32 s25, $0x2;
	s25 =	sadd.s32 $0x40, s25  }
0x17d: {  	v1 =	vld [tilespmem:s1+$0x11480];
	_ =	sdelay $0x4  }
0x17e: {  	v0 =	vmul.f32 v1, v0;
	_ =	sdelay $0x1  }
0x17f: {  	s30 =	rddreg [dreg:$0x3];
	s5 =	simm.s32 $0x11480;
	[tilespmem:s1+$0x11480] =	vst v0  }
0x180: {  	[hbm4b:s30+s4] =	stream.linear.scatter [tilespmem:s5], [sflag:$0x6], $0x1000, $0x200038;
	[tilespmem:$0x12480] =	vst v63  }
.Ltmp8:
0x181: {  	_ = 	snop;
	(pc) =	sbr.rel .LBB2_13-.Ltmp8, $4  }
0x182: {  	_ =	swait.ge [sflag:s28], $0x1000  }
0x183: {  	[sflag:s28] =	ssyncset.done $0x0  }
0x184: {  	[sflag:s28] =	ssyncadd.s32 $0xFFFFF000  }
0x185: {  	_ =	strace $0x9000004F  }
.LBB2_14:
0x186: {  	_ =	sfence.sel $0x180000  }
0x187: {  	[bflag:$0x0] =	sbarrier.arrive $0xFFFF  }
0x188: {  	_ =	strace $0x9000004C  }
0x189: {  	s0 =	stileid.u32;
	[bflag:$0x2] =	sbarrier.arrive $0xFFFF  }
0x18a: {  	p0 =	sne.s32 s0, $0x0;
	s0 =	rddreg [dreg:$0x4]  }
0x18b: {  	s0 =	sadd.s32 @!p0 $0x100000, s0  }
0x18c: {  	[sflag:s0] =	ssyncadd.tile.s32 @!p0 $0x1;
	_ =	shalt  }
.Lfunc_end2:
_tile_overlayer_lowered:
.L_overlay_start_2:
0x18d: {  	(tag) =	ssettag $0x2  }
0x18e: {  	s0 =	rddreg [dreg:$0x0];
	s2 =	stileid.u32  }
0x18f: {  	s1 =	rddreg [dreg:$0x1];
	p0 =	sne.s32 s2, $0x0  }
0x190: {  	s3 =	rddreg [dreg:$0x2];
	[bflag:$0x3] =	sbarrier.arrive $0xFFFF;
	s2 =	simm.s32 @!p0 $0x1C06  }
0x191: {  	[timem:s3], [sflag:s2] =	dma.local @!p0 [hbm:s0], s1  }
0x192: {  	s0 =	simm.s32 @!p0 $0x6  }
0x193: {  	_ =	swait.ge @!p0 [sflag:s0], s1  }
0x194: {  	s1 =	ssub.s32 @!p0 $0x0, s1;
	[sflag:s0] =	ssyncset.done @!p0 $0x0  }
0x195: {  	[sflag:s0] =	ssyncadd.s32 @!p0 s1  }
0x196: {  	[bflag:$0x3] =	sbarrier.arrive $0xFFFF  }
0x197: {  	_ =	shalt  }

</sc_bundles>
